<compile_context>
chip_gen: v7x
topology: tpu7x:2x2x1
jax: 0.10.2.dev20260603
libtpu: 0.0.44.dev20260713+nightly
codegen_flags: <defaults>
</compile_context>

<pallas_src>
import functools

import jax
import jax.numpy as jnp
from jax import lax
from jax.experimental import pallas as pl
from jax.experimental.pallas import tpu as pltpu
from jax.experimental.pallas import tpu_sc as plsc

_NUM_CORES = 2
_NUM_SUBCORES = 16
_NUM_WORKERS = _NUM_CORES * _NUM_SUBCORES


@functools.lru_cache(maxsize=None)
def _make_gather(B, k, s):
    G = k * s
    per_w = B // _NUM_WORKERS
    n_groups = per_w // G
    assert per_w % G == 0 and n_groups % 2 == 0 and s % 8 == 0
    mesh = plsc.VectorSubcoreMesh(core_axis_name="c", subcore_axis_name="s")

    @functools.partial(
        pl.kernel,
        mesh=mesh,
        out_type=jax.ShapeDtypeStruct((B, 128), jnp.float32),
        scratch_types=[
            pltpu.VMEM((per_w,), jnp.int32),
            pltpu.VMEM((2, G, 128), jnp.float32),
            pltpu.SemaphoreType.DMA,
            pltpu.SemaphoreType.DMA,
        ],
        compiler_params=pltpu.CompilerParams(use_tc_tiling_on_sc=True),
    )
    def gather_kernel(idx_hbm, table_hbm, out_hbm, idx_v, rows_v, gsem, wsem):
        cid = lax.axis_index("c")
        sid = lax.axis_index("s")
        wid = sid * _NUM_CORES + cid
        base = wid * per_w

        pltpu.sync_copy(idx_hbm.at[pl.ds(base, per_w)], idx_v)

        def fire_group(g, b):
            for j in range(k):
                pltpu.async_copy(
                    table_hbm.at[idx_v.at[pl.ds(g * G + j * s, s)]],
                    rows_v.at[b].at[pl.ds(j * s, s)], gsem)

        def drain_group(b):
            for j in range(k):
                pltpu.make_async_copy(
                    table_hbm.at[idx_v.at[pl.ds(j * s, s)]],
                    rows_v.at[b].at[pl.ds(j * s, s)], gsem).wait()

        fire_group(0, 0)
        fire_group(1, 1)

        def outer(g0):
            for b in range(2):
                g = g0 + b
                drain_group(b)
                dst = out_hbm.at[pl.ds(base + g * G, G)]
                pltpu.async_copy(rows_v.at[b], dst, wsem)
                pltpu.make_async_copy(rows_v.at[b], dst, wsem).wait()

                @pl.when(g + 2 < n_groups)
                def _():
                    fire_group(g + 2, b)

        pl.loop(0, n_groups, step=2)(outer)

    return gather_kernel


def kernel(x, table):
    orig_shape = x.shape
    D = table.shape[1]
    idx = x.reshape(-1).astype(jnp.int32)
    B = idx.shape[0]
    table_pad = jax.lax.pad(table, jnp.float32(0), ((0, 0, 0), (0, 128 - D, 0)))
    out = _make_gather(B, 8, 40)(idx, table_pad)
    return out[:, :D].reshape(*orig_shape, D)

# --- scband reference (transcript-rebuilt; emitter-appended) ---
"""Pipeline reference for scband-embedding-29025388986682 (READ-ONLY COPY).

The authoritative reference and input builder live on the scoring server;
editing this copy changes nothing except your own understanding.
"""

import jax, jax.numpy as jnp
import numpy as np

VOCAB = 1000000
EMBED_DIM = 64
PADDING_IDX = 0

def setup_inputs(seed: int = 0) -> dict:
    key = jax.random.key(seed)
    k_idx, k_tab = jax.random.split(key)
    x = jax.random.randint(k_idx, (4096, 200), 0, VOCAB, dtype=jnp.int64)
    table = jax.random.normal(k_tab, (VOCAB, EMBED_DIM), dtype=jnp.float32)
    # padding_idx row is zeros, matching nn.Embedding(padding_idx=...)
    table = table.at[PADDING_IDX].set(0.0)
    return {"x": x, "table": table}

def reference(x, table):
    # nn.Embedding forward: row gather from the embedding table
    return jnp.take(table, x, axis=0)

if __name__ == "__main__":
    import jax
    _d = setup_inputs()
    print(jax.jit(kernel)(*tuple(_d.values())))

</pallas_src>

<mosaic_0001>
#map = affine_map<(d0, d1) -> (0)>
#map1 = affine_map<(d0, d1) -> (0, 0)>
module attributes {stable_mosaic.version = 14 : i64} {
  func.func @gather_kernel(%arg0: i32, %arg1: i32, %arg2: memref<819200xi32, #tpu.memory_space<hbm>>, %arg3: memref<1000000x128xf32, #tpu.memory_space<hbm>>, %arg4: memref<819200x128xf32, #tpu.memory_space<hbm>>, %arg5: memref<25600xi32, #tpu.memory_space<vmem>>, %arg6: memref<2x320x128xf32, #tpu.memory_space<vmem>>, %arg7: memref<!tpu.dma_semaphore, #tpu.memory_space<semaphore_mem>>, %arg8: memref<!tpu.dma_semaphore, #tpu.memory_space<semaphore_mem>>) attributes {dimension_semantics = [#tpu.dimension_semantics<core_parallel>, #tpu.dimension_semantics<subcore_parallel>], iteration_bounds = array<i64: 2, 16>, scalar_prefetch = 0 : i64, scratch_operands = 4 : i64, tpu.core_type = #tpu.core_type<sc_vector_subcore>, window_params = [{transform_indices = #map}, {transform_indices = #map1}, {transform_indices = #map1}]} {
    %mul3A = arith.constant 2 : i32
    %mul3A_0 = arith.muli %arg1, %mul3A : i32
    %add3A = arith.addi %mul3A_0, %arg0 : i32
    %mul3A_1 = arith.constant 25600 : i32
    %mul3A_2 = arith.muli %add3A, %mul3A_1 : i32
    "tpu.region"() ({
      %run_scoped3A = tpu.sem_alloc : memref<!tpu.dma_semaphore, #tpu.memory_space<semaphore_mem>>
      %dma_start3A_214 = tpu.memref_slice %arg2[%mul3A_2] : memref<819200xi32, #tpu.memory_space<hbm>> -> memref<25600xi32, #tpu.memory_space<hbm>>
      %dma_start3A_215 = tpu.memref_slice %arg2[%mul3A_2] : memref<819200xi32, #tpu.memory_space<hbm>> -> memref<25600xi32, #tpu.memory_space<hbm>>
      tpu.enqueue_dma source(%dma_start3A_215 : memref<25600xi32, #tpu.memory_space<hbm>>) target(%arg5 : memref<25600xi32, #tpu.memory_space<vmem>>) target_semaphore(%run_scoped3A : memref<!tpu.dma_semaphore, #tpu.memory_space<semaphore_mem>>)
      %dma_wait3A = tpu.memref_slice %arg2[%mul3A_2] : memref<819200xi32, #tpu.memory_space<hbm>> -> memref<25600xi32, #tpu.memory_space<hbm>>
      %dma_wait3A_216 = tpu.memref_slice %arg2[%mul3A_2] : memref<819200xi32, #tpu.memory_space<hbm>> -> memref<25600xi32, #tpu.memory_space<hbm>>
      tpu.wait_dma2 semaphore(%run_scoped3A : memref<!tpu.dma_semaphore, #tpu.memory_space<semaphore_mem>>) src(%dma_wait3A_216 : memref<25600xi32, #tpu.memory_space<hbm>>) dst(%arg5 : memref<25600xi32, #tpu.memory_space<vmem>>)
      tpu.yield
    }) : () -> ()
    %dma_start3A = arith.constant 0 : i32
    %dma_start3A_3 = arith.constant 0 : i32
    %dma_start3A_4 = arith.constant 0 : i32
    %dma_start3A_5 = tpu.memref_slice %arg6[%dma_start3A, %dma_start3A_3, %dma_start3A_4] : memref<2x320x128xf32, #tpu.memory_space<vmem>> -> memref<1x320x128xf32, #tpu.memory_space<vmem>>
    %dma_start3A_6 = tpu.memref_squeeze %dma_start3A_5 : memref<1x320x128xf32, #tpu.memory_space<vmem>> -> memref<320x128xf32, #tpu.memory_space<vmem>>
    %dma_start3A_7 = arith.constant 0 : i32
    %dma_start3A_8 = arith.constant 0 : i32
    %dma_start3A_9 = tpu.memref_slice %dma_start3A_6[%dma_start3A_7, %dma_start3A_8] : memref<320x128xf32, #tpu.memory_space<vmem>> -> memref<40x128xf32, #tpu.memory_space<vmem>>
    %dma_start3A_10 = arith.constant 0 : i32
    %dma_start3A_11 = tpu.memref_slice %arg5[%dma_start3A_10] : memref<25600xi32, #tpu.memory_space<vmem>> -> memref<40xi32, #tpu.memory_space<vmem>>
    %dma_start3A_12 = arith.constant 0 : i32
    %dma_start3A_13 = arith.constant 0 : i32
    %dma_start3A_14 = tpu.memref_slice %arg3[%dma_start3A_12, %dma_start3A_13] : memref<1000000x128xf32, #tpu.memory_space<hbm>> -> memref<1000000x128xf32, #tpu.memory_space<hbm>>
    tpu.enqueue_indirect_dma source(%dma_start3A_14 : memref<1000000x128xf32, #tpu.memory_space<hbm>>) target(%dma_start3A_9 : memref<40x128xf32, #tpu.memory_space<vmem>>) offsets(%dma_start3A_11 : memref<40xi32, #tpu.memory_space<vmem>>) semaphore(%arg7 : memref<!tpu.dma_semaphore, #tpu.memory_space<semaphore_mem>>)
    %dma_start3A_15 = arith.constant 0 : i32
    %dma_start3A_16 = arith.constant 0 : i32
    %dma_start3A_17 = arith.constant 0 : i32
    %dma_start3A_18 = tpu.memref_slice %arg6[%dma_start3A_15, %dma_start3A_16, %dma_start3A_17] : memref<2x320x128xf32, #tpu.memory_space<vmem>> -> memref<1x320x128xf32, #tpu.memory_space<vmem>>
    %dma_start3A_19 = tpu.memref_squeeze %dma_start3A_18 : memref<1x320x128xf32, #tpu.memory_space<vmem>> -> memref<320x128xf32, #tpu.memory_space<vmem>>
    %dma_start3A_20 = arith.constant 40 : i32
    %dma_start3A_21 = arith.constant 0 : i32
    %dma_start3A_22 = tpu.memref_slice %dma_start3A_19[%dma_start3A_20, %dma_start3A_21] : memref<320x128xf32, #tpu.memory_space<vmem>> -> memref<40x128xf32, #tpu.memory_space<vmem>>
    %dma_start3A_23 = arith.constant 40 : i32
    %dma_start3A_24 = tpu.memref_slice %arg5[%dma_start3A_23] : memref<25600xi32, #tpu.memory_space<vmem>> -> memref<40xi32, #tpu.memory_space<vmem>>
    %dma_start3A_25 = arith.constant 0 : i32
    %dma_start3A_26 = arith.constant 0 : i32
    %dma_start3A_27 = tpu.memref_slice %arg3[%dma_start3A_25, %dma_start3A_26] : memref<1000000x128xf32, #tpu.memory_space<hbm>> -> memref<1000000x128xf32, #tpu.memory_space<hbm>>
    tpu.enqueue_indirect_dma source(%dma_start3A_27 : memref<1000000x128xf32, #tpu.memory_space<hbm>>) target(%dma_start3A_22 : memref<40x128xf32, #tpu.memory_space<vmem>>) offsets(%dma_start3A_24 : memref<40xi32, #tpu.memory_space<vmem>>) semaphore(%arg7 : memref<!tpu.dma_semaphore, #tpu.memory_space<semaphore_mem>>)
    %dma_start3A_28 = arith.constant 0 : i32
    %dma_start3A_29 = arith.constant 0 : i32
    %dma_start3A_30 = arith.constant 0 : i32
    %dma_start3A_31 = tpu.memref_slice %arg6[%dma_start3A_28, %dma_start3A_29, %dma_start3A_30] : memref<2x320x128xf32, #tpu.memory_space<vmem>> -> memref<1x320x128xf32, #tpu.memory_space<vmem>>
    %dma_start3A_32 = tpu.memref_squeeze %dma_start3A_31 : memref<1x320x128xf32, #tpu.memory_space<vmem>> -> memref<320x128xf32, #tpu.memory_space<vmem>>
    %dma_start3A_33 = arith.constant 80 : i32
    %dma_start3A_34 = arith.constant 0 : i32
    %dma_start3A_35 = tpu.memref_slice %dma_start3A_32[%dma_start3A_33, %dma_start3A_34] : memref<320x128xf32, #tpu.memory_space<vmem>> -> memref<40x128xf32, #tpu.memory_space<vmem>>
    %dma_start3A_36 = arith.constant 80 : i32
    %dma_start3A_37 = tpu.memref_slice %arg5[%dma_start3A_36] : memref<25600xi32, #tpu.memory_space<vmem>> -> memref<40xi32, #tpu.memory_space<vmem>>
    %dma_start3A_38 = arith.constant 0 : i32
    %dma_start3A_39 = arith.constant 0 : i32
    %dma_start3A_40 = tpu.memref_slice %arg3[%dma_start3A_38, %dma_start3A_39] : memref<1000000x128xf32, #tpu.memory_space<hbm>> -> memref<1000000x128xf32, #tpu.memory_space<hbm>>
    tpu.enqueue_indirect_dma source(%dma_start3A_40 : memref<1000000x128xf32, #tpu.memory_space<hbm>>) target(%dma_start3A_35 : memref<40x128xf32, #tpu.memory_space<vmem>>) offsets(%dma_start3A_37 : memref<40xi32, #tpu.memory_space<vmem>>) semaphore(%arg7 : memref<!tpu.dma_semaphore, #tpu.memory_space<semaphore_mem>>)
    %dma_start3A_41 = arith.constant 0 : i32
    %dma_start3A_42 = arith.constant 0 : i32
    %dma_start3A_43 = arith.constant 0 : i32
    %dma_start3A_44 = tpu.memref_slice %arg6[%dma_start3A_41, %dma_start3A_42, %dma_start3A_43] : memref<2x320x128xf32, #tpu.memory_space<vmem>> -> memref<1x320x128xf32, #tpu.memory_space<vmem>>
    %dma_start3A_45 = tpu.memref_squeeze %dma_start3A_44 : memref<1x320x128xf32, #tpu.memory_space<vmem>> -> memref<320x128xf32, #tpu.memory_space<vmem>>
    %dma_start3A_46 = arith.constant 120 : i32
    %dma_start3A_47 = arith.constant 0 : i32
    %dma_start3A_48 = tpu.memref_slice %dma_start3A_45[%dma_start3A_46, %dma_start3A_47] : memref<320x128xf32, #tpu.memory_space<vmem>> -> memref<40x128xf32, #tpu.memory_space<vmem>>
    %dma_start3A_49 = arith.constant 120 : i32
    %dma_start3A_50 = tpu.memref_slice %arg5[%dma_start3A_49] : memref<25600xi32, #tpu.memory_space<vmem>> -> memref<40xi32, #tpu.memory_space<vmem>>
    %dma_start3A_51 = arith.constant 0 : i32
    %dma_start3A_52 = arith.constant 0 : i32
    %dma_start3A_53 = tpu.memref_slice %arg3[%dma_start3A_51, %dma_start3A_52] : memref<1000000x128xf32, #tpu.memory_space<hbm>> -> memref<1000000x128xf32, #tpu.memory_space<hbm>>
    tpu.enqueue_indirect_dma source(%dma_start3A_53 : memref<1000000x128xf32, #tpu.memory_space<hbm>>) target(%dma_start3A_48 : memref<40x128xf32, #tpu.memory_space<vmem>>) offsets(%dma_start3A_50 : memref<40xi32, #tpu.memory_space<vmem>>) semaphore(%arg7 : memref<!tpu.dma_semaphore, #tpu.memory_space<semaphore_mem>>)
    %dma_start3A_54 = arith.constant 0 : i32
    %dma_start3A_55 = arith.constant 0 : i32
    %dma_start3A_56 = arith.constant 0 : i32
    %dma_start3A_57 = tpu.memref_slice %arg6[%dma_start3A_54, %dma_start3A_55, %dma_start3A_56] : memref<2x320x128xf32, #tpu.memory_space<vmem>> -> memref<1x320x128xf32, #tpu.memory_space<vmem>>
    %dma_start3A_58 = tpu.memref_squeeze %dma_start3A_57 : memref<1x320x128xf32, #tpu.memory_space<vmem>> -> memref<320x128xf32, #tpu.memory_space<vmem>>
    %dma_start3A_59 = arith.constant 160 : i32
    %dma_start3A_60 = arith.constant 0 : i32
    %dma_start3A_61 = tpu.memref_slice %dma_start3A_58[%dma_start3A_59, %dma_start3A_60] : memref<320x128xf32, #tpu.memory_space<vmem>> -> memref<40x128xf32, #tpu.memory_space<vmem>>
    %dma_start3A_62 = arith.constant 160 : i32
    %dma_start3A_63 = tpu.memref_slice %arg5[%dma_start3A_62] : memref<25600xi32, #tpu.memory_space<vmem>> -> memref<40xi32, #tpu.memory_space<vmem>>
    %dma_start3A_64 = arith.constant 0 : i32
    %dma_start3A_65 = arith.constant 0 : i32
    %dma_start3A_66 = tpu.memref_slice %arg3[%dma_start3A_64, %dma_start3A_65] : memref<1000000x128xf32, #tpu.memory_space<hbm>> -> memref<1000000x128xf32, #tpu.memory_space<hbm>>
    tpu.enqueue_indirect_dma source(%dma_start3A_66 : memref<1000000x128xf32, #tpu.memory_space<hbm>>) target(%dma_start3A_61 : memref<40x128xf32, #tpu.memory_space<vmem>>) offsets(%dma_start3A_63 : memref<40xi32, #tpu.memory_space<vmem>>) semaphore(%arg7 : memref<!tpu.dma_semaphore, #tpu.memory_space<semaphore_mem>>)
    %dma_start3A_67 = arith.constant 0 : i32
    %dma_start3A_68 = arith.constant 0 : i32
    %dma_start3A_69 = arith.constant 0 : i32
    %dma_start3A_70 = tpu.memref_slice %arg6[%dma_start3A_67, %dma_start3A_68, %dma_start3A_69] : memref<2x320x128xf32, #tpu.memory_space<vmem>> -> memref<1x320x128xf32, #tpu.memory_space<vmem>>
    %dma_start3A_71 = tpu.memref_squeeze %dma_start3A_70 : memref<1x320x128xf32, #tpu.memory_space<vmem>> -> memref<320x128xf32, #tpu.memory_space<vmem>>
    %dma_start3A_72 = arith.constant 200 : i32
    %dma_start3A_73 = arith.constant 0 : i32
    %dma_start3A_74 = tpu.memref_slice %dma_start3A_71[%dma_start3A_72, %dma_start3A_73] : memref<320x128xf32, #tpu.memory_space<vmem>> -> memref<40x128xf32, #tpu.memory_space<vmem>>
    %dma_start3A_75 = arith.constant 200 : i32
    %dma_start3A_76 = tpu.memref_slice %arg5[%dma_start3A_75] : memref<25600xi32, #tpu.memory_space<vmem>> -> memref<40xi32, #tpu.memory_space<vmem>>
    %dma_start3A_77 = arith.constant 0 : i32
    %dma_start3A_78 = arith.constant 0 : i32
    %dma_start3A_79 = tpu.memref_slice %arg3[%dma_start3A_77, %dma_start3A_78] : memref<1000000x128xf32, #tpu.memory_space<hbm>> -> memref<1000000x128xf32, #tpu.memory_space<hbm>>
    tpu.enqueue_indirect_dma source(%dma_start3A_79 : memref<1000000x128xf32, #tpu.memory_space<hbm>>) target(%dma_start3A_74 : memref<40x128xf32, #tpu.memory_space<vmem>>) offsets(%dma_start3A_76 : memref<40xi32, #tpu.memory_space<vmem>>) semaphore(%arg7 : memref<!tpu.dma_semaphore, #tpu.memory_space<semaphore_mem>>)
    %dma_start3A_80 = arith.constant 0 : i32
    %dma_start3A_81 = arith.constant 0 : i32
    %dma_start3A_82 = arith.constant 0 : i32
    %dma_start3A_83 = tpu.memref_slice %arg6[%dma_start3A_80, %dma_start3A_81, %dma_start3A_82] : memref<2x320x128xf32, #tpu.memory_space<vmem>> -> memref<1x320x128xf32, #tpu.memory_space<vmem>>
    %dma_start3A_84 = tpu.memref_squeeze %dma_start3A_83 : memref<1x320x128xf32, #tpu.memory_space<vmem>> -> memref<320x128xf32, #tpu.memory_space<vmem>>
    %dma_start3A_85 = arith.constant 240 : i32
    %dma_start3A_86 = arith.constant 0 : i32
    %dma_start3A_87 = tpu.memref_slice %dma_start3A_84[%dma_start3A_85, %dma_start3A_86] : memref<320x128xf32, #tpu.memory_space<vmem>> -> memref<40x128xf32, #tpu.memory_space<vmem>>
    %dma_start3A_88 = arith.constant 240 : i32
    %dma_start3A_89 = tpu.memref_slice %arg5[%dma_start3A_88] : memref<25600xi32, #tpu.memory_space<vmem>> -> memref<40xi32, #tpu.memory_space<vmem>>
    %dma_start3A_90 = arith.constant 0 : i32
    %dma_start3A_91 = arith.constant 0 : i32
    %dma_start3A_92 = tpu.memref_slice %arg3[%dma_start3A_90, %dma_start3A_91] : memref<1000000x128xf32, #tpu.memory_space<hbm>> -> memref<1000000x128xf32, #tpu.memory_space<hbm>>
    tpu.enqueue_indirect_dma source(%dma_start3A_92 : memref<1000000x128xf32, #tpu.memory_space<hbm>>) target(%dma_start3A_87 : memref<40x128xf32, #tpu.memory_space<vmem>>) offsets(%dma_start3A_89 : memref<40xi32, #tpu.memory_space<vmem>>) semaphore(%arg7 : memref<!tpu.dma_semaphore, #tpu.memory_space<semaphore_mem>>)
    %dma_start3A_93 = arith.constant 0 : i32
    %dma_start3A_94 = arith.constant 0 : i32
    %dma_start3A_95 = arith.constant 0 : i32
    %dma_start3A_96 = tpu.memref_slice %arg6[%dma_start3A_93, %dma_start3A_94, %dma_start3A_95] : memref<2x320x128xf32, #tpu.memory_space<vmem>> -> memref<1x320x128xf32, #tpu.memory_space<vmem>>
    %dma_start3A_97 = tpu.memref_squeeze %dma_start3A_96 : memref<1x320x128xf32, #tpu.memory_space<vmem>> -> memref<320x128xf32, #tpu.memory_space<vmem>>
    %dma_start3A_98 = arith.constant 280 : i32
    %dma_start3A_99 = arith.constant 0 : i32
    %dma_start3A_100 = tpu.memref_slice %dma_start3A_97[%dma_start3A_98, %dma_start3A_99] : memref<320x128xf32, #tpu.memory_space<vmem>> -> memref<40x128xf32, #tpu.memory_space<vmem>>
    %dma_start3A_101 = arith.constant 280 : i32
    %dma_start3A_102 = tpu.memref_slice %arg5[%dma_start3A_101] : memref<25600xi32, #tpu.memory_space<vmem>> -> memref<40xi32, #tpu.memory_space<vmem>>
    %dma_start3A_103 = arith.constant 0 : i32
    %dma_start3A_104 = arith.constant 0 : i32
    %dma_start3A_105 = tpu.memref_slice %arg3[%dma_start3A_103, %dma_start3A_104] : memref<1000000x128xf32, #tpu.memory_space<hbm>> -> memref<1000000x128xf32, #tpu.memory_space<hbm>>
    tpu.enqueue_indirect_dma source(%dma_start3A_105 : memref<1000000x128xf32, #tpu.memory_space<hbm>>) target(%dma_start3A_100 : memref<40x128xf32, #tpu.memory_space<vmem>>) offsets(%dma_start3A_102 : memref<40xi32, #tpu.memory_space<vmem>>) semaphore(%arg7 : memref<!tpu.dma_semaphore, #tpu.memory_space<semaphore_mem>>)
    %dma_start3A_106 = arith.constant 1 : i32
    %dma_start3A_107 = arith.constant 0 : i32
    %dma_start3A_108 = arith.constant 0 : i32
    %dma_start3A_109 = tpu.memref_slice %arg6[%dma_start3A_106, %dma_start3A_107, %dma_start3A_108] : memref<2x320x128xf32, #tpu.memory_space<vmem>> -> memref<1x320x128xf32, #tpu.memory_space<vmem>>
    %dma_start3A_110 = tpu.memref_squeeze %dma_start3A_109 : memref<1x320x128xf32, #tpu.memory_space<vmem>> -> memref<320x128xf32, #tpu.memory_space<vmem>>
    %dma_start3A_111 = arith.constant 0 : i32
    %dma_start3A_112 = arith.constant 0 : i32
    %dma_start3A_113 = tpu.memref_slice %dma_start3A_110[%dma_start3A_111, %dma_start3A_112] : memref<320x128xf32, #tpu.memory_space<vmem>> -> memref<40x128xf32, #tpu.memory_space<vmem>>
    %dma_start3A_114 = arith.constant 320 : i32
    %dma_start3A_115 = tpu.memref_slice %arg5[%dma_start3A_114] : memref<25600xi32, #tpu.memory_space<vmem>> -> memref<40xi32, #tpu.memory_space<vmem>>
    %dma_start3A_116 = arith.constant 0 : i32
    %dma_start3A_117 = arith.constant 0 : i32
    %dma_start3A_118 = tpu.memref_slice %arg3[%dma_start3A_116, %dma_start3A_117] : memref<1000000x128xf32, #tpu.memory_space<hbm>> -> memref<1000000x128xf32, #tpu.memory_space<hbm>>
    tpu.enqueue_indirect_dma source(%dma_start3A_118 : memref<1000000x128xf32, #tpu.memory_space<hbm>>) target(%dma_start3A_113 : memref<40x128xf32, #tpu.memory_space<vmem>>) offsets(%dma_start3A_115 : memref<40xi32, #tpu.memory_space<vmem>>) semaphore(%arg7 : memref<!tpu.dma_semaphore, #tpu.memory_space<semaphore_mem>>)
    %dma_start3A_119 = arith.constant 1 : i32
    %dma_start3A_120 = arith.constant 0 : i32
    %dma_start3A_121 = arith.constant 0 : i32
    %dma_start3A_122 = tpu.memref_slice %arg6[%dma_start3A_119, %dma_start3A_120, %dma_start3A_121] : memref<2x320x128xf32, #tpu.memory_space<vmem>> -> memref<1x320x128xf32, #tpu.memory_space<vmem>>
    %dma_start3A_123 = tpu.memref_squeeze %dma_start3A_122 : memref<1x320x128xf32, #tpu.memory_space<vmem>> -> memref<320x128xf32, #tpu.memory_space<vmem>>
    %dma_start3A_124 = arith.constant 40 : i32
    %dma_start3A_125 = arith.constant 0 : i32
    %dma_start3A_126 = tpu.memref_slice %dma_start3A_123[%dma_start3A_124, %dma_start3A_125] : memref<320x128xf32, #tpu.memory_space<vmem>> -> memref<40x128xf32, #tpu.memory_space<vmem>>
    %dma_start3A_127 = arith.constant 360 : i32
    %dma_start3A_128 = tpu.memref_slice %arg5[%dma_start3A_127] : memref<25600xi32, #tpu.memory_space<vmem>> -> memref<40xi32, #tpu.memory_space<vmem>>
    %dma_start3A_129 = arith.constant 0 : i32
    %dma_start3A_130 = arith.constant 0 : i32
    %dma_start3A_131 = tpu.memref_slice %arg3[%dma_start3A_129, %dma_start3A_130] : memref<1000000x128xf32, #tpu.memory_space<hbm>> -> memref<1000000x128xf32, #tpu.memory_space<hbm>>
    tpu.enqueue_indirect_dma source(%dma_start3A_131 : memref<1000000x128xf32, #tpu.memory_space<hbm>>) target(%dma_start3A_126 : memref<40x128xf32, #tpu.memory_space<vmem>>) offsets(%dma_start3A_128 : memref<40xi32, #tpu.memory_space<vmem>>) semaphore(%arg7 : memref<!tpu.dma_semaphore, #tpu.memory_space<semaphore_mem>>)
    %dma_start3A_132 = arith.constant 1 : i32
    %dma_start3A_133 = arith.constant 0 : i32
    %dma_start3A_134 = arith.constant 0 : i32
    %dma_start3A_135 = tpu.memref_slice %arg6[%dma_start3A_132, %dma_start3A_133, %dma_start3A_134] : memref<2x320x128xf32, #tpu.memory_space<vmem>> -> memref<1x320x128xf32, #tpu.memory_space<vmem>>
    %dma_start3A_136 = tpu.memref_squeeze %dma_start3A_135 : memref<1x320x128xf32, #tpu.memory_space<vmem>> -> memref<320x128xf32, #tpu.memory_space<vmem>>
    %dma_start3A_137 = arith.constant 80 : i32
    %dma_start3A_138 = arith.constant 0 : i32
    %dma_start3A_139 = tpu.memref_slice %dma_start3A_136[%dma_start3A_137, %dma_start3A_138] : memref<320x128xf32, #tpu.memory_space<vmem>> -> memref<40x128xf32, #tpu.memory_space<vmem>>
    %dma_start3A_140 = arith.constant 400 : i32
    %dma_start3A_141 = tpu.memref_slice %arg5[%dma_start3A_140] : memref<25600xi32, #tpu.memory_space<vmem>> -> memref<40xi32, #tpu.memory_space<vmem>>
    %dma_start3A_142 = arith.constant 0 : i32
    %dma_start3A_143 = arith.constant 0 : i32
    %dma_start3A_144 = tpu.memref_slice %arg3[%dma_start3A_142, %dma_start3A_143] : memref<1000000x128xf32, #tpu.memory_space<hbm>> -> memref<1000000x128xf32, #tpu.memory_space<hbm>>
    tpu.enqueue_indirect_dma source(%dma_start3A_144 : memref<1000000x128xf32, #tpu.memory_space<hbm>>) target(%dma_start3A_139 : memref<40x128xf32, #tpu.memory_space<vmem>>) offsets(%dma_start3A_141 : memref<40xi32, #tpu.memory_space<vmem>>) semaphore(%arg7 : memref<!tpu.dma_semaphore, #tpu.memory_space<semaphore_mem>>)
    %dma_start3A_145 = arith.constant 1 : i32
    %dma_start3A_146 = arith.constant 0 : i32
    %dma_start3A_147 = arith.constant 0 : i32
    %dma_start3A_148 = tpu.memref_slice %arg6[%dma_start3A_145, %dma_start3A_146, %dma_start3A_147] : memref<2x320x128xf32, #tpu.memory_space<vmem>> -> memref<1x320x128xf32, #tpu.memory_space<vmem>>
    %dma_start3A_149 = tpu.memref_squeeze %dma_start3A_148 : memref<1x320x128xf32, #tpu.memory_space<vmem>> -> memref<320x128xf32, #tpu.memory_space<vmem>>
    %dma_start3A_150 = arith.constant 120 : i32
    %dma_start3A_151 = arith.constant 0 : i32
    %dma_start3A_152 = tpu.memref_slice %dma_start3A_149[%dma_start3A_150, %dma_start3A_151] : memref<320x128xf32, #tpu.memory_space<vmem>> -> memref<40x128xf32, #tpu.memory_space<vmem>>
    %dma_start3A_153 = arith.constant 440 : i32
    %dma_start3A_154 = tpu.memref_slice %arg5[%dma_start3A_153] : memref<25600xi32, #tpu.memory_space<vmem>> -> memref<40xi32, #tpu.memory_space<vmem>>
    %dma_start3A_155 = arith.constant 0 : i32
    %dma_start3A_156 = arith.constant 0 : i32
    %dma_start3A_157 = tpu.memref_slice %arg3[%dma_start3A_155, %dma_start3A_156] : memref<1000000x128xf32, #tpu.memory_space<hbm>> -> memref<1000000x128xf32, #tpu.memory_space<hbm>>
    tpu.enqueue_indirect_dma source(%dma_start3A_157 : memref<1000000x128xf32, #tpu.memory_space<hbm>>) target(%dma_start3A_152 : memref<40x128xf32, #tpu.memory_space<vmem>>) offsets(%dma_start3A_154 : memref<40xi32, #tpu.memory_space<vmem>>) semaphore(%arg7 : memref<!tpu.dma_semaphore, #tpu.memory_space<semaphore_mem>>)
    %dma_start3A_158 = arith.constant 1 : i32
    %dma_start3A_159 = arith.constant 0 : i32
    %dma_start3A_160 = arith.constant 0 : i32
    %dma_start3A_161 = tpu.memref_slice %arg6[%dma_start3A_158, %dma_start3A_159, %dma_start3A_160] : memref<2x320x128xf32, #tpu.memory_space<vmem>> -> memref<1x320x128xf32, #tpu.memory_space<vmem>>
    %dma_start3A_162 = tpu.memref_squeeze %dma_start3A_161 : memref<1x320x128xf32, #tpu.memory_space<vmem>> -> memref<320x128xf32, #tpu.memory_space<vmem>>
    %dma_start3A_163 = arith.constant 160 : i32
    %dma_start3A_164 = arith.constant 0 : i32
    %dma_start3A_165 = tpu.memref_slice %dma_start3A_162[%dma_start3A_163, %dma_start3A_164] : memref<320x128xf32, #tpu.memory_space<vmem>> -> memref<40x128xf32, #tpu.memory_space<vmem>>
    %dma_start3A_166 = arith.constant 480 : i32
    %dma_start3A_167 = tpu.memref_slice %arg5[%dma_start3A_166] : memref<25600xi32, #tpu.memory_space<vmem>> -> memref<40xi32, #tpu.memory_space<vmem>>
    %dma_start3A_168 = arith.constant 0 : i32
    %dma_start3A_169 = arith.constant 0 : i32
    %dma_start3A_170 = tpu.memref_slice %arg3[%dma_start3A_168, %dma_start3A_169] : memref<1000000x128xf32, #tpu.memory_space<hbm>> -> memref<1000000x128xf32, #tpu.memory_space<hbm>>
    tpu.enqueue_indirect_dma source(%dma_start3A_170 : memref<1000000x128xf32, #tpu.memory_space<hbm>>) target(%dma_start3A_165 : memref<40x128xf32, #tpu.memory_space<vmem>>) offsets(%dma_start3A_167 : memref<40xi32, #tpu.memory_space<vmem>>) semaphore(%arg7 : memref<!tpu.dma_semaphore, #tpu.memory_space<semaphore_mem>>)
    %dma_start3A_171 = arith.constant 1 : i32
    %dma_start3A_172 = arith.constant 0 : i32
    %dma_start3A_173 = arith.constant 0 : i32
    %dma_start3A_174 = tpu.memref_slice %arg6[%dma_start3A_171, %dma_start3A_172, %dma_start3A_173] : memref<2x320x128xf32, #tpu.memory_space<vmem>> -> memref<1x320x128xf32, #tpu.memory_space<vmem>>
    %dma_start3A_175 = tpu.memref_squeeze %dma_start3A_174 : memref<1x320x128xf32, #tpu.memory_space<vmem>> -> memref<320x128xf32, #tpu.memory_space<vmem>>
    %dma_start3A_176 = arith.constant 200 : i32
    %dma_start3A_177 = arith.constant 0 : i32
    %dma_start3A_178 = tpu.memref_slice %dma_start3A_175[%dma_start3A_176, %dma_start3A_177] : memref<320x128xf32, #tpu.memory_space<vmem>> -> memref<40x128xf32, #tpu.memory_space<vmem>>
    %dma_start3A_179 = arith.constant 520 : i32
    %dma_start3A_180 = tpu.memref_slice %arg5[%dma_start3A_179] : memref<25600xi32, #tpu.memory_space<vmem>> -> memref<40xi32, #tpu.memory_space<vmem>>
    %dma_start3A_181 = arith.constant 0 : i32
    %dma_start3A_182 = arith.constant 0 : i32
    %dma_start3A_183 = tpu.memref_slice %arg3[%dma_start3A_181, %dma_start3A_182] : memref<1000000x128xf32, #tpu.memory_space<hbm>> -> memref<1000000x128xf32, #tpu.memory_space<hbm>>
    tpu.enqueue_indirect_dma source(%dma_start3A_183 : memref<1000000x128xf32, #tpu.memory_space<hbm>>) target(%dma_start3A_178 : memref<40x128xf32, #tpu.memory_space<vmem>>) offsets(%dma_start3A_180 : memref<40xi32, #tpu.memory_space<vmem>>) semaphore(%arg7 : memref<!tpu.dma_semaphore, #tpu.memory_space<semaphore_mem>>)
    %dma_start3A_184 = arith.constant 1 : i32
    %dma_start3A_185 = arith.constant 0 : i32
    %dma_start3A_186 = arith.constant 0 : i32
    %dma_start3A_187 = tpu.memref_slice %arg6[%dma_start3A_184, %dma_start3A_185, %dma_start3A_186] : memref<2x320x128xf32, #tpu.memory_space<vmem>> -> memref<1x320x128xf32, #tpu.memory_space<vmem>>
    %dma_start3A_188 = tpu.memref_squeeze %dma_start3A_187 : memref<1x320x128xf32, #tpu.memory_space<vmem>> -> memref<320x128xf32, #tpu.memory_space<vmem>>
    %dma_start3A_189 = arith.constant 240 : i32
    %dma_start3A_190 = arith.constant 0 : i32
    %dma_start3A_191 = tpu.memref_slice %dma_start3A_188[%dma_start3A_189, %dma_start3A_190] : memref<320x128xf32, #tpu.memory_space<vmem>> -> memref<40x128xf32, #tpu.memory_space<vmem>>
    %dma_start3A_192 = arith.constant 560 : i32
    %dma_start3A_193 = tpu.memref_slice %arg5[%dma_start3A_192] : memref<25600xi32, #tpu.memory_space<vmem>> -> memref<40xi32, #tpu.memory_space<vmem>>
    %dma_start3A_194 = arith.constant 0 : i32
    %dma_start3A_195 = arith.constant 0 : i32
    %dma_start3A_196 = tpu.memref_slice %arg3[%dma_start3A_194, %dma_start3A_195] : memref<1000000x128xf32, #tpu.memory_space<hbm>> -> memref<1000000x128xf32, #tpu.memory_space<hbm>>
    tpu.enqueue_indirect_dma source(%dma_start3A_196 : memref<1000000x128xf32, #tpu.memory_space<hbm>>) target(%dma_start3A_191 : memref<40x128xf32, #tpu.memory_space<vmem>>) offsets(%dma_start3A_193 : memref<40xi32, #tpu.memory_space<vmem>>) semaphore(%arg7 : memref<!tpu.dma_semaphore, #tpu.memory_space<semaphore_mem>>)
    %dma_start3A_197 = arith.constant 1 : i32
    %dma_start3A_198 = arith.constant 0 : i32
    %dma_start3A_199 = arith.constant 0 : i32
    %dma_start3A_200 = tpu.memref_slice %arg6[%dma_start3A_197, %dma_start3A_198, %dma_start3A_199] : memref<2x320x128xf32, #tpu.memory_space<vmem>> -> memref<1x320x128xf32, #tpu.memory_space<vmem>>
    %dma_start3A_201 = tpu.memref_squeeze %dma_start3A_200 : memref<1x320x128xf32, #tpu.memory_space<vmem>> -> memref<320x128xf32, #tpu.memory_space<vmem>>
    %dma_start3A_202 = arith.constant 280 : i32
    %dma_start3A_203 = arith.constant 0 : i32
    %dma_start3A_204 = tpu.memref_slice %dma_start3A_201[%dma_start3A_202, %dma_start3A_203] : memref<320x128xf32, #tpu.memory_space<vmem>> -> memref<40x128xf32, #tpu.memory_space<vmem>>
    %dma_start3A_205 = arith.constant 600 : i32
    %dma_start3A_206 = tpu.memref_slice %arg5[%dma_start3A_205] : memref<25600xi32, #tpu.memory_space<vmem>> -> memref<40xi32, #tpu.memory_space<vmem>>
    %dma_start3A_207 = arith.constant 0 : i32
    %dma_start3A_208 = arith.constant 0 : i32
    %dma_start3A_209 = tpu.memref_slice %arg3[%dma_start3A_207, %dma_start3A_208] : memref<1000000x128xf32, #tpu.memory_space<hbm>> -> memref<1000000x128xf32, #tpu.memory_space<hbm>>
    tpu.enqueue_indirect_dma source(%dma_start3A_209 : memref<1000000x128xf32, #tpu.memory_space<hbm>>) target(%dma_start3A_204 : memref<40x128xf32, #tpu.memory_space<vmem>>) offsets(%dma_start3A_206 : memref<40xi32, #tpu.memory_space<vmem>>) semaphore(%arg7 : memref<!tpu.dma_semaphore, #tpu.memory_space<semaphore_mem>>)
    %scan3A = arith.constant 0 : i32
    %scan3A_210 = arith.constant 40 : i32
    %scan3A_211 = arith.addi %scan3A, %scan3A_210 : i32
    %scan3A_212 = arith.constant 1 : i32
    scf.for %scan3A_214 = %scan3A to %scan3A_211 step %scan3A_212  : i32 {
      %mul3A_215 = arith.constant 2 : i32
      %mul3A_216 = arith.muli %scan3A_214, %mul3A_215 : i32
      %add3A_217 = arith.constant 0 : i32
      %add3A_218 = arith.addi %add3A_217, %mul3A_216 : i32
      %add3A_219 = arith.constant 0 : i32
      %add3A_220 = arith.addi %add3A_218, %add3A_219 : i32
      %dma_wait3A = arith.constant 0 : i32
      %dma_wait3A_221 = arith.constant 0 : i32
      %dma_wait3A_222 = arith.constant 0 : i32
      %dma_wait3A_223 = tpu.memref_slice %arg6[%dma_wait3A, %dma_wait3A_221, %dma_wait3A_222] : memref<2x320x128xf32, #tpu.memory_space<vmem>> -> memref<1x320x128xf32, #tpu.memory_space<vmem>>
      %dma_wait3A_224 = tpu.memref_squeeze %dma_wait3A_223 : memref<1x320x128xf32, #tpu.memory_space<vmem>> -> memref<320x128xf32, #tpu.memory_space<vmem>>
      %dma_wait3A_225 = arith.constant 0 : i32
      %dma_wait3A_226 = arith.constant 0 : i32
      %dma_wait3A_227 = tpu.memref_slice %dma_wait3A_224[%dma_wait3A_225, %dma_wait3A_226] : memref<320x128xf32, #tpu.memory_space<vmem>> -> memref<40x128xf32, #tpu.memory_space<vmem>>
      %dma_wait3A_228 = arith.constant 0 : i32
      %dma_wait3A_229 = tpu.memref_slice %arg5[%dma_wait3A_228] : memref<25600xi32, #tpu.memory_space<vmem>> -> memref<40xi32, #tpu.memory_space<vmem>>
      %dma_wait3A_230 = arith.constant 0 : i32
      %dma_wait3A_231 = arith.constant 0 : i32
      %dma_wait3A_232 = tpu.memref_slice %arg3[%dma_wait3A_230, %dma_wait3A_231] : memref<1000000x128xf32, #tpu.memory_space<hbm>> -> memref<1000000x128xf32, #tpu.memory_space<hbm>>
      tpu.wait_indirect_dma semaphore(%arg7 : memref<!tpu.dma_semaphore, #tpu.memory_space<semaphore_mem>>) src(%dma_wait3A_232 : memref<1000000x128xf32, #tpu.memory_space<hbm>>) dst(%dma_wait3A_227 : memref<40x128xf32, #tpu.memory_space<vmem>>)
      %dma_wait3A_233 = arith.constant 0 : i32
      %dma_wait3A_234 = arith.constant 0 : i32
      %dma_wait3A_235 = arith.constant 0 : i32
      %dma_wait3A_236 = tpu.memref_slice %arg6[%dma_wait3A_233, %dma_wait3A_234, %dma_wait3A_235] : memref<2x320x128xf32, #tpu.memory_space<vmem>> -> memref<1x320x128xf32, #tpu.memory_space<vmem>>
      %dma_wait3A_237 = tpu.memref_squeeze %dma_wait3A_236 : memref<1x320x128xf32, #tpu.memory_space<vmem>> -> memref<320x128xf32, #tpu.memory_space<vmem>>
      %dma_wait3A_238 = arith.constant 40 : i32
      %dma_wait3A_239 = arith.constant 0 : i32
      %dma_wait3A_240 = tpu.memref_slice %dma_wait3A_237[%dma_wait3A_238, %dma_wait3A_239] : memref<320x128xf32, #tpu.memory_space<vmem>> -> memref<40x128xf32, #tpu.memory_space<vmem>>
      %dma_wait3A_241 = arith.constant 40 : i32
      %dma_wait3A_242 = tpu.memref_slice %arg5[%dma_wait3A_241] : memref<25600xi32, #tpu.memory_space<vmem>> -> memref<40xi32, #tpu.memory_space<vmem>>
      %dma_wait3A_243 = arith.constant 0 : i32
      %dma_wait3A_244 = arith.constant 0 : i32
      %dma_wait3A_245 = tpu.memref_slice %arg3[%dma_wait3A_243, %dma_wait3A_244] : memref<1000000x128xf32, #tpu.memory_space<hbm>> -> memref<1000000x128xf32, #tpu.memory_space<hbm>>
      tpu.wait_indirect_dma semaphore(%arg7 : memref<!tpu.dma_semaphore, #tpu.memory_space<semaphore_mem>>) src(%dma_wait3A_245 : memref<1000000x128xf32, #tpu.memory_space<hbm>>) dst(%dma_wait3A_240 : memref<40x128xf32, #tpu.memory_space<vmem>>)
      %dma_wait3A_246 = arith.constant 0 : i32
      %dma_wait3A_247 = arith.constant 0 : i32
      %dma_wait3A_248 = arith.constant 0 : i32
      %dma_wait3A_249 = tpu.memref_slice %arg6[%dma_wait3A_246, %dma_wait3A_247, %dma_wait3A_248] : memref<2x320x128xf32, #tpu.memory_space<vmem>> -> memref<1x320x128xf32, #tpu.memory_space<vmem>>
      %dma_wait3A_250 = tpu.memref_squeeze %dma_wait3A_249 : memref<1x320x128xf32, #tpu.memory_space<vmem>> -> memref<320x128xf32, #tpu.memory_space<vmem>>
      %dma_wait3A_251 = arith.constant 80 : i32
      %dma_wait3A_252 = arith.constant 0 : i32
      %dma_wait3A_253 = tpu.memref_slice %dma_wait3A_250[%dma_wait3A_251, %dma_wait3A_252] : memref<320x128xf32, #tpu.memory_space<vmem>> -> memref<40x128xf32, #tpu.memory_space<vmem>>
      %dma_wait3A_254 = arith.constant 80 : i32
      %dma_wait3A_255 = tpu.memref_slice %arg5[%dma_wait3A_254] : memref<25600xi32, #tpu.memory_space<vmem>> -> memref<40xi32, #tpu.memory_space<vmem>>
      %dma_wait3A_256 = arith.constant 0 : i32
      %dma_wait3A_257 = arith.constant 0 : i32
      %dma_wait3A_258 = tpu.memref_slice %arg3[%dma_wait3A_256, %dma_wait3A_257] : memref<1000000x128xf32, #tpu.memory_space<hbm>> -> memref<1000000x128xf32, #tpu.memory_space<hbm>>
      tpu.wait_indirect_dma semaphore(%arg7 : memref<!tpu.dma_semaphore, #tpu.memory_space<semaphore_mem>>) src(%dma_wait3A_258 : memref<1000000x128xf32, #tpu.memory_space<hbm>>) dst(%dma_wait3A_253 : memref<40x128xf32, #tpu.memory_space<vmem>>)
      %dma_wait3A_259 = arith.constant 0 : i32
      %dma_wait3A_260 = arith.constant 0 : i32
      %dma_wait3A_261 = arith.constant 0 : i32
      %dma_wait3A_262 = tpu.memref_slice %arg6[%dma_wait3A_259, %dma_wait3A_260, %dma_wait3A_261] : memref<2x320x128xf32, #tpu.memory_space<vmem>> -> memref<1x320x128xf32, #tpu.memory_space<vmem>>
      %dma_wait3A_263 = tpu.memref_squeeze %dma_wait3A_262 : memref<1x320x128xf32, #tpu.memory_space<vmem>> -> memref<320x128xf32, #tpu.memory_space<vmem>>
      %dma_wait3A_264 = arith.constant 120 : i32
      %dma_wait3A_265 = arith.constant 0 : i32
      %dma_wait3A_266 = tpu.memref_slice %dma_wait3A_263[%dma_wait3A_264, %dma_wait3A_265] : memref<320x128xf32, #tpu.memory_space<vmem>> -> memref<40x128xf32, #tpu.memory_space<vmem>>
      %dma_wait3A_267 = arith.constant 120 : i32
      %dma_wait3A_268 = tpu.memref_slice %arg5[%dma_wait3A_267] : memref<25600xi32, #tpu.memory_space<vmem>> -> memref<40xi32, #tpu.memory_space<vmem>>
      %dma_wait3A_269 = arith.constant 0 : i32
      %dma_wait3A_270 = arith.constant 0 : i32
      %dma_wait3A_271 = tpu.memref_slice %arg3[%dma_wait3A_269, %dma_wait3A_270] : memref<1000000x128xf32, #tpu.memory_space<hbm>> -> memref<1000000x128xf32, #tpu.memory_space<hbm>>
      tpu.wait_indirect_dma semaphore(%arg7 : memref<!tpu.dma_semaphore, #tpu.memory_space<semaphore_mem>>) src(%dma_wait3A_271 : memref<1000000x128xf32, #tpu.memory_space<hbm>>) dst(%dma_wait3A_266 : memref<40x128xf32, #tpu.memory_space<vmem>>)
      %dma_wait3A_272 = arith.constant 0 : i32
      %dma_wait3A_273 = arith.constant 0 : i32
      %dma_wait3A_274 = arith.constant 0 : i32
      %dma_wait3A_275 = tpu.memref_slice %arg6[%dma_wait3A_272, %dma_wait3A_273, %dma_wait3A_274] : memref<2x320x128xf32, #tpu.memory_space<vmem>> -> memref<1x320x128xf32, #tpu.memory_space<vmem>>
      %dma_wait3A_276 = tpu.memref_squeeze %dma_wait3A_275 : memref<1x320x128xf32, #tpu.memory_space<vmem>> -> memref<320x128xf32, #tpu.memory_space<vmem>>
      %dma_wait3A_277 = arith.constant 160 : i32
      %dma_wait3A_278 = arith.constant 0 : i32
      %dma_wait3A_279 = tpu.memref_slice %dma_wait3A_276[%dma_wait3A_277, %dma_wait3A_278] : memref<320x128xf32, #tpu.memory_space<vmem>> -> memref<40x128xf32, #tpu.memory_space<vmem>>
      %dma_wait3A_280 = arith.constant 160 : i32
      %dma_wait3A_281 = tpu.memref_slice %arg5[%dma_wait3A_280] : memref<25600xi32, #tpu.memory_space<vmem>> -> memref<40xi32, #tpu.memory_space<vmem>>
      %dma_wait3A_282 = arith.constant 0 : i32
      %dma_wait3A_283 = arith.constant 0 : i32
      %dma_wait3A_284 = tpu.memref_slice %arg3[%dma_wait3A_282, %dma_wait3A_283] : memref<1000000x128xf32, #tpu.memory_space<hbm>> -> memref<1000000x128xf32, #tpu.memory_space<hbm>>
      tpu.wait_indirect_dma semaphore(%arg7 : memref<!tpu.dma_semaphore, #tpu.memory_space<semaphore_mem>>) src(%dma_wait3A_284 : memref<1000000x128xf32, #tpu.memory_space<hbm>>) dst(%dma_wait3A_279 : memref<40x128xf32, #tpu.memory_space<vmem>>)
      %dma_wait3A_285 = arith.constant 0 : i32
      %dma_wait3A_286 = arith.constant 0 : i32
      %dma_wait3A_287 = arith.constant 0 : i32
      %dma_wait3A_288 = tpu.memref_slice %arg6[%dma_wait3A_285, %dma_wait3A_286, %dma_wait3A_287] : memref<2x320x128xf32, #tpu.memory_space<vmem>> -> memref<1x320x128xf32, #tpu.memory_space<vmem>>
      %dma_wait3A_289 = tpu.memref_squeeze %dma_wait3A_288 : memref<1x320x128xf32, #tpu.memory_space<vmem>> -> memref<320x128xf32, #tpu.memory_space<vmem>>
      %dma_wait3A_290 = arith.constant 200 : i32
      %dma_wait3A_291 = arith.constant 0 : i32
      %dma_wait3A_292 = tpu.memref_slice %dma_wait3A_289[%dma_wait3A_290, %dma_wait3A_291] : memref<320x128xf32, #tpu.memory_space<vmem>> -> memref<40x128xf32, #tpu.memory_space<vmem>>
      %dma_wait3A_293 = arith.constant 200 : i32
      %dma_wait3A_294 = tpu.memref_slice %arg5[%dma_wait3A_293] : memref<25600xi32, #tpu.memory_space<vmem>> -> memref<40xi32, #tpu.memory_space<vmem>>
      %dma_wait3A_295 = arith.constant 0 : i32
      %dma_wait3A_296 = arith.constant 0 : i32
      %dma_wait3A_297 = tpu.memref_slice %arg3[%dma_wait3A_295, %dma_wait3A_296] : memref<1000000x128xf32, #tpu.memory_space<hbm>> -> memref<1000000x128xf32, #tpu.memory_space<hbm>>
      tpu.wait_indirect_dma semaphore(%arg7 : memref<!tpu.dma_semaphore, #tpu.memory_space<semaphore_mem>>) src(%dma_wait3A_297 : memref<1000000x128xf32, #tpu.memory_space<hbm>>) dst(%dma_wait3A_292 : memref<40x128xf32, #tpu.memory_space<vmem>>)
      %dma_wait3A_298 = arith.constant 0 : i32
      %dma_wait3A_299 = arith.constant 0 : i32
      %dma_wait3A_300 = arith.constant 0 : i32
      %dma_wait3A_301 = tpu.memref_slice %arg6[%dma_wait3A_298, %dma_wait3A_299, %dma_wait3A_300] : memref<2x320x128xf32, #tpu.memory_space<vmem>> -> memref<1x320x128xf32, #tpu.memory_space<vmem>>
      %dma_wait3A_302 = tpu.memref_squeeze %dma_wait3A_301 : memref<1x320x128xf32, #tpu.memory_space<vmem>> -> memref<320x128xf32, #tpu.memory_space<vmem>>
      %dma_wait3A_303 = arith.constant 240 : i32
      %dma_wait3A_304 = arith.constant 0 : i32
      %dma_wait3A_305 = tpu.memref_slice %dma_wait3A_302[%dma_wait3A_303, %dma_wait3A_304] : memref<320x128xf32, #tpu.memory_space<vmem>> -> memref<40x128xf32, #tpu.memory_space<vmem>>
      %dma_wait3A_306 = arith.constant 240 : i32
      %dma_wait3A_307 = tpu.memref_slice %arg5[%dma_wait3A_306] : memref<25600xi32, #tpu.memory_space<vmem>> -> memref<40xi32, #tpu.memory_space<vmem>>
      %dma_wait3A_308 = arith.constant 0 : i32
      %dma_wait3A_309 = arith.constant 0 : i32
      %dma_wait3A_310 = tpu.memref_slice %arg3[%dma_wait3A_308, %dma_wait3A_309] : memref<1000000x128xf32, #tpu.memory_space<hbm>> -> memref<1000000x128xf32, #tpu.memory_space<hbm>>
      tpu.wait_indirect_dma semaphore(%arg7 : memref<!tpu.dma_semaphore, #tpu.memory_space<semaphore_mem>>) src(%dma_wait3A_310 : memref<1000000x128xf32, #tpu.memory_space<hbm>>) dst(%dma_wait3A_305 : memref<40x128xf32, #tpu.memory_space<vmem>>)
      %dma_wait3A_311 = arith.constant 0 : i32
      %dma_wait3A_312 = arith.constant 0 : i32
      %dma_wait3A_313 = arith.constant 0 : i32
      %dma_wait3A_314 = tpu.memref_slice %arg6[%dma_wait3A_311, %dma_wait3A_312, %dma_wait3A_313] : memref<2x320x128xf32, #tpu.memory_space<vmem>> -> memref<1x320x128xf32, #tpu.memory_space<vmem>>
      %dma_wait3A_315 = tpu.memref_squeeze %dma_wait3A_314 : memref<1x320x128xf32, #tpu.memory_space<vmem>> -> memref<320x128xf32, #tpu.memory_space<vmem>>
      %dma_wait3A_316 = arith.constant 280 : i32
      %dma_wait3A_317 = arith.constant 0 : i32
      %dma_wait3A_318 = tpu.memref_slice %dma_wait3A_315[%dma_wait3A_316, %dma_wait3A_317] : memref<320x128xf32, #tpu.memory_space<vmem>> -> memref<40x128xf32, #tpu.memory_space<vmem>>
      %dma_wait3A_319 = arith.constant 280 : i32
      %dma_wait3A_320 = tpu.memref_slice %arg5[%dma_wait3A_319] : memref<25600xi32, #tpu.memory_space<vmem>> -> memref<40xi32, #tpu.memory_space<vmem>>
      %dma_wait3A_321 = arith.constant 0 : i32
      %dma_wait3A_322 = arith.constant 0 : i32
      %dma_wait3A_323 = tpu.memref_slice %arg3[%dma_wait3A_321, %dma_wait3A_322] : memref<1000000x128xf32, #tpu.memory_space<hbm>> -> memref<1000000x128xf32, #tpu.memory_space<hbm>>
      tpu.wait_indirect_dma semaphore(%arg7 : memref<!tpu.dma_semaphore, #tpu.memory_space<semaphore_mem>>) src(%dma_wait3A_323 : memref<1000000x128xf32, #tpu.memory_space<hbm>>) dst(%dma_wait3A_318 : memref<40x128xf32, #tpu.memory_space<vmem>>)
      %mul3A_324 = arith.constant 320 : i32
      %mul3A_325 = arith.muli %add3A_220, %mul3A_324 : i32
      %add3A_326 = arith.addi %mul3A_2, %mul3A_325 : i32
      %dma_start3A_327 = arith.constant 0 : i32
      %dma_start3A_328 = arith.constant 0 : i32
      %dma_start3A_329 = arith.constant 0 : i32
      %dma_start3A_330 = tpu.memref_slice %arg6[%dma_start3A_327, %dma_start3A_328, %dma_start3A_329] : memref<2x320x128xf32, #tpu.memory_space<vmem>> -> memref<1x320x128xf32, #tpu.memory_space<vmem>>
      %dma_start3A_331 = tpu.memref_squeeze %dma_start3A_330 : memref<1x320x128xf32, #tpu.memory_space<vmem>> -> memref<320x128xf32, #tpu.memory_space<vmem>>
      %dma_start3A_332 = arith.constant 0 : i32
      %dma_start3A_333 = tpu.memref_slice %arg4[%add3A_326, %dma_start3A_332] : memref<819200x128xf32, #tpu.memory_space<hbm>> -> memref<320x128xf32, #tpu.memory_space<hbm>>
      %dma_start3A_334 = arith.constant 0 : i32
      %dma_start3A_335 = tpu.memref_slice %arg4[%add3A_326, %dma_start3A_334] : memref<819200x128xf32, #tpu.memory_space<hbm>> -> memref<320x128xf32, #tpu.memory_space<hbm>>
      %dma_start3A_336 = arith.constant 0 : i32
      %dma_start3A_337 = arith.constant 0 : i32
      %dma_start3A_338 = tpu.memref_slice %arg6[%dma_start3A_327, %dma_start3A_336, %dma_start3A_337] : memref<2x320x128xf32, #tpu.memory_space<vmem>> -> memref<1x320x128xf32, #tpu.memory_space<vmem>>
      %dma_start3A_339 = tpu.memref_squeeze %dma_start3A_338 : memref<1x320x128xf32, #tpu.memory_space<vmem>> -> memref<320x128xf32, #tpu.memory_space<vmem>>
      tpu.enqueue_dma source(%dma_start3A_339 : memref<320x128xf32, #tpu.memory_space<vmem>>) target(%dma_start3A_335 : memref<320x128xf32, #tpu.memory_space<hbm>>) target_semaphore(%arg8 : memref<!tpu.dma_semaphore, #tpu.memory_space<semaphore_mem>>)
      %dma_wait3A_340 = arith.constant 0 : i32
      %dma_wait3A_341 = arith.constant 0 : i32
      %dma_wait3A_342 = arith.constant 0 : i32
      %dma_wait3A_343 = tpu.memref_slice %arg6[%dma_wait3A_340, %dma_wait3A_341, %dma_wait3A_342] : memref<2x320x128xf32, #tpu.memory_space<vmem>> -> memref<1x320x128xf32, #tpu.memory_space<vmem>>
      %dma_wait3A_344 = tpu.memref_squeeze %dma_wait3A_343 : memref<1x320x128xf32, #tpu.memory_space<vmem>> -> memref<320x128xf32, #tpu.memory_space<vmem>>
      %dma_wait3A_345 = arith.constant 0 : i32
      %dma_wait3A_346 = tpu.memref_slice %arg4[%add3A_326, %dma_wait3A_345] : memref<819200x128xf32, #tpu.memory_space<hbm>> -> memref<320x128xf32, #tpu.memory_space<hbm>>
      %dma_wait3A_347 = arith.constant 0 : i32
      %dma_wait3A_348 = tpu.memref_slice %arg4[%add3A_326, %dma_wait3A_347] : memref<819200x128xf32, #tpu.memory_space<hbm>> -> memref<320x128xf32, #tpu.memory_space<hbm>>
      %dma_wait3A_349 = arith.constant 0 : i32
      %dma_wait3A_350 = arith.constant 0 : i32
      %dma_wait3A_351 = tpu.memref_slice %arg6[%dma_wait3A_340, %dma_wait3A_349, %dma_wait3A_350] : memref<2x320x128xf32, #tpu.memory_space<vmem>> -> memref<1x320x128xf32, #tpu.memory_space<vmem>>
      %dma_wait3A_352 = tpu.memref_squeeze %dma_wait3A_351 : memref<1x320x128xf32, #tpu.memory_space<vmem>> -> memref<320x128xf32, #tpu.memory_space<vmem>>
      tpu.wait_dma2 semaphore(%arg8 : memref<!tpu.dma_semaphore, #tpu.memory_space<semaphore_mem>>) src(%dma_wait3A_352 : memref<320x128xf32, #tpu.memory_space<vmem>>) dst(%dma_wait3A_348 : memref<320x128xf32, #tpu.memory_space<hbm>>)
      %add3A_353 = arith.constant 2 : i32
      %add3A_354 = arith.addi %add3A_220, %add3A_353 : i32
      %lt3A = arith.constant 80 : i32
      %lt3A_355 = arith.cmpi slt, %add3A_354, %lt3A : i32
      %convert_element_type3A = arith.extui %lt3A_355 : i1 to i32
      %cond3A = arith.constant 0 : i32
      %cond3A_356 = arith.cmpi ne, %convert_element_type3A, %cond3A : i32
      scf.if %cond3A_356 {
        %add3A_499 = arith.constant 2 : i32
        %add3A_500 = arith.addi %add3A_220, %add3A_499 : i32
        %mul3A_501 = arith.constant 320 : i32
        %mul3A_502 = arith.muli %add3A_500, %mul3A_501 : i32
        %add3A_503 = arith.constant 0 : i32
        %add3A_504 = arith.addi %mul3A_502, %add3A_503 : i32
        %dma_start3A_505 = arith.constant 0 : i32
        %dma_start3A_506 = arith.constant 0 : i32
        %dma_start3A_507 = arith.constant 0 : i32
        %dma_start3A_508 = tpu.memref_slice %arg6[%dma_start3A_505, %dma_start3A_506, %dma_start3A_507] : memref<2x320x128xf32, #tpu.memory_space<vmem>> -> memref<1x320x128xf32, #tpu.memory_space<vmem>>
        %dma_start3A_509 = tpu.memref_squeeze %dma_start3A_508 : memref<1x320x128xf32, #tpu.memory_space<vmem>> -> memref<320x128xf32, #tpu.memory_space<vmem>>
        %dma_start3A_510 = arith.constant 0 : i32
        %dma_start3A_511 = arith.constant 0 : i32
        %dma_start3A_512 = tpu.memref_slice %dma_start3A_509[%dma_start3A_510, %dma_start3A_511] : memref<320x128xf32, #tpu.memory_space<vmem>> -> memref<40x128xf32, #tpu.memory_space<vmem>>
        %dma_start3A_513 = tpu.memref_slice %arg5[%add3A_504] : memref<25600xi32, #tpu.memory_space<vmem>> -> memref<40xi32, #tpu.memory_space<vmem>>
        %dma_start3A_514 = arith.constant 0 : i32
        %dma_start3A_515 = arith.constant 0 : i32
        %dma_start3A_516 = tpu.memref_slice %arg3[%dma_start3A_514, %dma_start3A_515] : memref<1000000x128xf32, #tpu.memory_space<hbm>> -> memref<1000000x128xf32, #tpu.memory_space<hbm>>
        tpu.enqueue_indirect_dma source(%dma_start3A_516 : memref<1000000x128xf32, #tpu.memory_space<hbm>>) target(%dma_start3A_512 : memref<40x128xf32, #tpu.memory_space<vmem>>) offsets(%dma_start3A_513 : memref<40xi32, #tpu.memory_space<vmem>>) semaphore(%arg7 : memref<!tpu.dma_semaphore, #tpu.memory_space<semaphore_mem>>)
        %mul3A_517 = arith.constant 320 : i32
        %mul3A_518 = arith.muli %add3A_500, %mul3A_517 : i32
        %add3A_519 = arith.constant 40 : i32
        %add3A_520 = arith.addi %mul3A_518, %add3A_519 : i32
        %dma_start3A_521 = arith.constant 0 : i32
        %dma_start3A_522 = arith.constant 0 : i32
        %dma_start3A_523 = arith.constant 0 : i32
        %dma_start3A_524 = tpu.memref_slice %arg6[%dma_start3A_521, %dma_start3A_522, %dma_start3A_523] : memref<2x320x128xf32, #tpu.memory_space<vmem>> -> memref<1x320x128xf32, #tpu.memory_space<vmem>>
        %dma_start3A_525 = tpu.memref_squeeze %dma_start3A_524 : memref<1x320x128xf32, #tpu.memory_space<vmem>> -> memref<320x128xf32, #tpu.memory_space<vmem>>
        %dma_start3A_526 = arith.constant 40 : i32
        %dma_start3A_527 = arith.constant 0 : i32
        %dma_start3A_528 = tpu.memref_slice %dma_start3A_525[%dma_start3A_526, %dma_start3A_527] : memref<320x128xf32, #tpu.memory_space<vmem>> -> memref<40x128xf32, #tpu.memory_space<vmem>>
        %dma_start3A_529 = tpu.memref_slice %arg5[%add3A_520] : memref<25600xi32, #tpu.memory_space<vmem>> -> memref<40xi32, #tpu.memory_space<vmem>>
        %dma_start3A_530 = arith.constant 0 : i32
        %dma_start3A_531 = arith.constant 0 : i32
        %dma_start3A_532 = tpu.memref_slice %arg3[%dma_start3A_530, %dma_start3A_531] : memref<1000000x128xf32, #tpu.memory_space<hbm>> -> memref<1000000x128xf32, #tpu.memory_space<hbm>>
        tpu.enqueue_indirect_dma source(%dma_start3A_532 : memref<1000000x128xf32, #tpu.memory_space<hbm>>) target(%dma_start3A_528 : memref<40x128xf32, #tpu.memory_space<vmem>>) offsets(%dma_start3A_529 : memref<40xi32, #tpu.memory_space<vmem>>) semaphore(%arg7 : memref<!tpu.dma_semaphore, #tpu.memory_space<semaphore_mem>>)
        %mul3A_533 = arith.constant 320 : i32
        %mul3A_534 = arith.muli %add3A_500, %mul3A_533 : i32
        %add3A_535 = arith.constant 80 : i32
        %add3A_536 = arith.addi %mul3A_534, %add3A_535 : i32
        %dma_start3A_537 = arith.constant 0 : i32
        %dma_start3A_538 = arith.constant 0 : i32
        %dma_start3A_539 = arith.constant 0 : i32
        %dma_start3A_540 = tpu.memref_slice %arg6[%dma_start3A_537, %dma_start3A_538, %dma_start3A_539] : memref<2x320x128xf32, #tpu.memory_space<vmem>> -> memref<1x320x128xf32, #tpu.memory_space<vmem>>
        %dma_start3A_541 = tpu.memref_squeeze %dma_start3A_540 : memref<1x320x128xf32, #tpu.memory_space<vmem>> -> memref<320x128xf32, #tpu.memory_space<vmem>>
        %dma_start3A_542 = arith.constant 80 : i32
        %dma_start3A_543 = arith.constant 0 : i32
        %dma_start3A_544 = tpu.memref_slice %dma_start3A_541[%dma_start3A_542, %dma_start3A_543] : memref<320x128xf32, #tpu.memory_space<vmem>> -> memref<40x128xf32, #tpu.memory_space<vmem>>
        %dma_start3A_545 = tpu.memref_slice %arg5[%add3A_536] : memref<25600xi32, #tpu.memory_space<vmem>> -> memref<40xi32, #tpu.memory_space<vmem>>
        %dma_start3A_546 = arith.constant 0 : i32
        %dma_start3A_547 = arith.constant 0 : i32
        %dma_start3A_548 = tpu.memref_slice %arg3[%dma_start3A_546, %dma_start3A_547] : memref<1000000x128xf32, #tpu.memory_space<hbm>> -> memref<1000000x128xf32, #tpu.memory_space<hbm>>
        tpu.enqueue_indirect_dma source(%dma_start3A_548 : memref<1000000x128xf32, #tpu.memory_space<hbm>>) target(%dma_start3A_544 : memref<40x128xf32, #tpu.memory_space<vmem>>) offsets(%dma_start3A_545 : memref<40xi32, #tpu.memory_space<vmem>>) semaphore(%arg7 : memref<!tpu.dma_semaphore, #tpu.memory_space<semaphore_mem>>)
        %mul3A_549 = arith.constant 320 : i32
        %mul3A_550 = arith.muli %add3A_500, %mul3A_549 : i32
        %add3A_551 = arith.constant 120 : i32
        %add3A_552 = arith.addi %mul3A_550, %add3A_551 : i32
        %dma_start3A_553 = arith.constant 0 : i32
        %dma_start3A_554 = arith.constant 0 : i32
        %dma_start3A_555 = arith.constant 0 : i32
        %dma_start3A_556 = tpu.memref_slice %arg6[%dma_start3A_553, %dma_start3A_554, %dma_start3A_555] : memref<2x320x128xf32, #tpu.memory_space<vmem>> -> memref<1x320x128xf32, #tpu.memory_space<vmem>>
        %dma_start3A_557 = tpu.memref_squeeze %dma_start3A_556 : memref<1x320x128xf32, #tpu.memory_space<vmem>> -> memref<320x128xf32, #tpu.memory_space<vmem>>
        %dma_start3A_558 = arith.constant 120 : i32
        %dma_start3A_559 = arith.constant 0 : i32
        %dma_start3A_560 = tpu.memref_slice %dma_start3A_557[%dma_start3A_558, %dma_start3A_559] : memref<320x128xf32, #tpu.memory_space<vmem>> -> memref<40x128xf32, #tpu.memory_space<vmem>>
        %dma_start3A_561 = tpu.memref_slice %arg5[%add3A_552] : memref<25600xi32, #tpu.memory_space<vmem>> -> memref<40xi32, #tpu.memory_space<vmem>>
        %dma_start3A_562 = arith.constant 0 : i32
        %dma_start3A_563 = arith.constant 0 : i32
        %dma_start3A_564 = tpu.memref_slice %arg3[%dma_start3A_562, %dma_start3A_563] : memref<1000000x128xf32, #tpu.memory_space<hbm>> -> memref<1000000x128xf32, #tpu.memory_space<hbm>>
        tpu.enqueue_indirect_dma source(%dma_start3A_564 : memref<1000000x128xf32, #tpu.memory_space<hbm>>) target(%dma_start3A_560 : memref<40x128xf32, #tpu.memory_space<vmem>>) offsets(%dma_start3A_561 : memref<40xi32, #tpu.memory_space<vmem>>) semaphore(%arg7 : memref<!tpu.dma_semaphore, #tpu.memory_space<semaphore_mem>>)
        %mul3A_565 = arith.constant 320 : i32
        %mul3A_566 = arith.muli %add3A_500, %mul3A_565 : i32
        %add3A_567 = arith.constant 160 : i32
        %add3A_568 = arith.addi %mul3A_566, %add3A_567 : i32
        %dma_start3A_569 = arith.constant 0 : i32
        %dma_start3A_570 = arith.constant 0 : i32
        %dma_start3A_571 = arith.constant 0 : i32
        %dma_start3A_572 = tpu.memref_slice %arg6[%dma_start3A_569, %dma_start3A_570, %dma_start3A_571] : memref<2x320x128xf32, #tpu.memory_space<vmem>> -> memref<1x320x128xf32, #tpu.memory_space<vmem>>
        %dma_start3A_573 = tpu.memref_squeeze %dma_start3A_572 : memref<1x320x128xf32, #tpu.memory_space<vmem>> -> memref<320x128xf32, #tpu.memory_space<vmem>>
        %dma_start3A_574 = arith.constant 160 : i32
        %dma_start3A_575 = arith.constant 0 : i32
        %dma_start3A_576 = tpu.memref_slice %dma_start3A_573[%dma_start3A_574, %dma_start3A_575] : memref<320x128xf32, #tpu.memory_space<vmem>> -> memref<40x128xf32, #tpu.memory_space<vmem>>
        %dma_start3A_577 = tpu.memref_slice %arg5[%add3A_568] : memref<25600xi32, #tpu.memory_space<vmem>> -> memref<40xi32, #tpu.memory_space<vmem>>
        %dma_start3A_578 = arith.constant 0 : i32
        %dma_start3A_579 = arith.constant 0 : i32
        %dma_start3A_580 = tpu.memref_slice %arg3[%dma_start3A_578, %dma_start3A_579] : memref<1000000x128xf32, #tpu.memory_space<hbm>> -> memref<1000000x128xf32, #tpu.memory_space<hbm>>
        tpu.enqueue_indirect_dma source(%dma_start3A_580 : memref<1000000x128xf32, #tpu.memory_space<hbm>>) target(%dma_start3A_576 : memref<40x128xf32, #tpu.memory_space<vmem>>) offsets(%dma_start3A_577 : memref<40xi32, #tpu.memory_space<vmem>>) semaphore(%arg7 : memref<!tpu.dma_semaphore, #tpu.memory_space<semaphore_mem>>)
        %mul3A_581 = arith.constant 320 : i32
        %mul3A_582 = arith.muli %add3A_500, %mul3A_581 : i32
        %add3A_583 = arith.constant 200 : i32
        %add3A_584 = arith.addi %mul3A_582, %add3A_583 : i32
        %dma_start3A_585 = arith.constant 0 : i32
        %dma_start3A_586 = arith.constant 0 : i32
        %dma_start3A_587 = arith.constant 0 : i32
        %dma_start3A_588 = tpu.memref_slice %arg6[%dma_start3A_585, %dma_start3A_586, %dma_start3A_587] : memref<2x320x128xf32, #tpu.memory_space<vmem>> -> memref<1x320x128xf32, #tpu.memory_space<vmem>>
        %dma_start3A_589 = tpu.memref_squeeze %dma_start3A_588 : memref<1x320x128xf32, #tpu.memory_space<vmem>> -> memref<320x128xf32, #tpu.memory_space<vmem>>
        %dma_start3A_590 = arith.constant 200 : i32
        %dma_start3A_591 = arith.constant 0 : i32
        %dma_start3A_592 = tpu.memref_slice %dma_start3A_589[%dma_start3A_590, %dma_start3A_591] : memref<320x128xf32, #tpu.memory_space<vmem>> -> memref<40x128xf32, #tpu.memory_space<vmem>>
        %dma_start3A_593 = tpu.memref_slice %arg5[%add3A_584] : memref<25600xi32, #tpu.memory_space<vmem>> -> memref<40xi32, #tpu.memory_space<vmem>>
        %dma_start3A_594 = arith.constant 0 : i32
        %dma_start3A_595 = arith.constant 0 : i32
        %dma_start3A_596 = tpu.memref_slice %arg3[%dma_start3A_594, %dma_start3A_595] : memref<1000000x128xf32, #tpu.memory_space<hbm>> -> memref<1000000x128xf32, #tpu.memory_space<hbm>>
        tpu.enqueue_indirect_dma source(%dma_start3A_596 : memref<1000000x128xf32, #tpu.memory_space<hbm>>) target(%dma_start3A_592 : memref<40x128xf32, #tpu.memory_space<vmem>>) offsets(%dma_start3A_593 : memref<40xi32, #tpu.memory_space<vmem>>) semaphore(%arg7 : memref<!tpu.dma_semaphore, #tpu.memory_space<semaphore_mem>>)
        %mul3A_597 = arith.constant 320 : i32
        %mul3A_598 = arith.muli %add3A_500, %mul3A_597 : i32
        %add3A_599 = arith.constant 240 : i32
        %add3A_600 = arith.addi %mul3A_598, %add3A_599 : i32
        %dma_start3A_601 = arith.constant 0 : i32
        %dma_start3A_602 = arith.constant 0 : i32
        %dma_start3A_603 = arith.constant 0 : i32
        %dma_start3A_604 = tpu.memref_slice %arg6[%dma_start3A_601, %dma_start3A_602, %dma_start3A_603] : memref<2x320x128xf32, #tpu.memory_space<vmem>> -> memref<1x320x128xf32, #tpu.memory_space<vmem>>
        %dma_start3A_605 = tpu.memref_squeeze %dma_start3A_604 : memref<1x320x128xf32, #tpu.memory_space<vmem>> -> memref<320x128xf32, #tpu.memory_space<vmem>>
        %dma_start3A_606 = arith.constant 240 : i32
        %dma_start3A_607 = arith.constant 0 : i32
        %dma_start3A_608 = tpu.memref_slice %dma_start3A_605[%dma_start3A_606, %dma_start3A_607] : memref<320x128xf32, #tpu.memory_space<vmem>> -> memref<40x128xf32, #tpu.memory_space<vmem>>
        %dma_start3A_609 = tpu.memref_slice %arg5[%add3A_600] : memref<25600xi32, #tpu.memory_space<vmem>> -> memref<40xi32, #tpu.memory_space<vmem>>
        %dma_start3A_610 = arith.constant 0 : i32
        %dma_start3A_611 = arith.constant 0 : i32
        %dma_start3A_612 = tpu.memref_slice %arg3[%dma_start3A_610, %dma_start3A_611] : memref<1000000x128xf32, #tpu.memory_space<hbm>> -> memref<1000000x128xf32, #tpu.memory_space<hbm>>
        tpu.enqueue_indirect_dma source(%dma_start3A_612 : memref<1000000x128xf32, #tpu.memory_space<hbm>>) target(%dma_start3A_608 : memref<40x128xf32, #tpu.memory_space<vmem>>) offsets(%dma_start3A_609 : memref<40xi32, #tpu.memory_space<vmem>>) semaphore(%arg7 : memref<!tpu.dma_semaphore, #tpu.memory_space<semaphore_mem>>)
        %mul3A_613 = arith.constant 320 : i32
        %mul3A_614 = arith.muli %add3A_500, %mul3A_613 : i32
        %add3A_615 = arith.constant 280 : i32
        %add3A_616 = arith.addi %mul3A_614, %add3A_615 : i32
        %dma_start3A_617 = arith.constant 0 : i32
        %dma_start3A_618 = arith.constant 0 : i32
        %dma_start3A_619 = arith.constant 0 : i32
        %dma_start3A_620 = tpu.memref_slice %arg6[%dma_start3A_617, %dma_start3A_618, %dma_start3A_619] : memref<2x320x128xf32, #tpu.memory_space<vmem>> -> memref<1x320x128xf32, #tpu.memory_space<vmem>>
        %dma_start3A_621 = tpu.memref_squeeze %dma_start3A_620 : memref<1x320x128xf32, #tpu.memory_space<vmem>> -> memref<320x128xf32, #tpu.memory_space<vmem>>
        %dma_start3A_622 = arith.constant 280 : i32
        %dma_start3A_623 = arith.constant 0 : i32
        %dma_start3A_624 = tpu.memref_slice %dma_start3A_621[%dma_start3A_622, %dma_start3A_623] : memref<320x128xf32, #tpu.memory_space<vmem>> -> memref<40x128xf32, #tpu.memory_space<vmem>>
        %dma_start3A_625 = tpu.memref_slice %arg5[%add3A_616] : memref<25600xi32, #tpu.memory_space<vmem>> -> memref<40xi32, #tpu.memory_space<vmem>>
        %dma_start3A_626 = arith.constant 0 : i32
        %dma_start3A_627 = arith.constant 0 : i32
        %dma_start3A_628 = tpu.memref_slice %arg3[%dma_start3A_626, %dma_start3A_627] : memref<1000000x128xf32, #tpu.memory_space<hbm>> -> memref<1000000x128xf32, #tpu.memory_space<hbm>>
        tpu.enqueue_indirect_dma source(%dma_start3A_628 : memref<1000000x128xf32, #tpu.memory_space<hbm>>) target(%dma_start3A_624 : memref<40x128xf32, #tpu.memory_space<vmem>>) offsets(%dma_start3A_625 : memref<40xi32, #tpu.memory_space<vmem>>) semaphore(%arg7 : memref<!tpu.dma_semaphore, #tpu.memory_space<semaphore_mem>>)
      } else {
      }
      %add3A_357 = arith.constant 1 : i32
      %add3A_358 = arith.addi %add3A_218, %add3A_357 : i32
      %dma_wait3A_359 = arith.constant 1 : i32
      %dma_wait3A_360 = arith.constant 0 : i32
      %dma_wait3A_361 = arith.constant 0 : i32
      %dma_wait3A_362 = tpu.memref_slice %arg6[%dma_wait3A_359, %dma_wait3A_360, %dma_wait3A_361] : memref<2x320x128xf32, #tpu.memory_space<vmem>> -> memref<1x320x128xf32, #tpu.memory_space<vmem>>
      %dma_wait3A_363 = tpu.memref_squeeze %dma_wait3A_362 : memref<1x320x128xf32, #tpu.memory_space<vmem>> -> memref<320x128xf32, #tpu.memory_space<vmem>>
      %dma_wait3A_364 = arith.constant 0 : i32
      %dma_wait3A_365 = arith.constant 0 : i32
      %dma_wait3A_366 = tpu.memref_slice %dma_wait3A_363[%dma_wait3A_364, %dma_wait3A_365] : memref<320x128xf32, #tpu.memory_space<vmem>> -> memref<40x128xf32, #tpu.memory_space<vmem>>
      %dma_wait3A_367 = arith.constant 0 : i32
      %dma_wait3A_368 = tpu.memref_slice %arg5[%dma_wait3A_367] : memref<25600xi32, #tpu.memory_space<vmem>> -> memref<40xi32, #tpu.memory_space<vmem>>
      %dma_wait3A_369 = arith.constant 0 : i32
      %dma_wait3A_370 = arith.constant 0 : i32
      %dma_wait3A_371 = tpu.memref_slice %arg3[%dma_wait3A_369, %dma_wait3A_370] : memref<1000000x128xf32, #tpu.memory_space<hbm>> -> memref<1000000x128xf32, #tpu.memory_space<hbm>>
      tpu.wait_indirect_dma semaphore(%arg7 : memref<!tpu.dma_semaphore, #tpu.memory_space<semaphore_mem>>) src(%dma_wait3A_371 : memref<1000000x128xf32, #tpu.memory_space<hbm>>) dst(%dma_wait3A_366 : memref<40x128xf32, #tpu.memory_space<vmem>>)
      %dma_wait3A_372 = arith.constant 1 : i32
      %dma_wait3A_373 = arith.constant 0 : i32
      %dma_wait3A_374 = arith.constant 0 : i32
      %dma_wait3A_375 = tpu.memref_slice %arg6[%dma_wait3A_372, %dma_wait3A_373, %dma_wait3A_374] : memref<2x320x128xf32, #tpu.memory_space<vmem>> -> memref<1x320x128xf32, #tpu.memory_space<vmem>>
      %dma_wait3A_376 = tpu.memref_squeeze %dma_wait3A_375 : memref<1x320x128xf32, #tpu.memory_space<vmem>> -> memref<320x128xf32, #tpu.memory_space<vmem>>
      %dma_wait3A_377 = arith.constant 40 : i32
      %dma_wait3A_378 = arith.constant 0 : i32
      %dma_wait3A_379 = tpu.memref_slice %dma_wait3A_376[%dma_wait3A_377, %dma_wait3A_378] : memref<320x128xf32, #tpu.memory_space<vmem>> -> memref<40x128xf32, #tpu.memory_space<vmem>>
      %dma_wait3A_380 = arith.constant 40 : i32
      %dma_wait3A_381 = tpu.memref_slice %arg5[%dma_wait3A_380] : memref<25600xi32, #tpu.memory_space<vmem>> -> memref<40xi32, #tpu.memory_space<vmem>>
      %dma_wait3A_382 = arith.constant 0 : i32
      %dma_wait3A_383 = arith.constant 0 : i32
      %dma_wait3A_384 = tpu.memref_slice %arg3[%dma_wait3A_382, %dma_wait3A_383] : memref<1000000x128xf32, #tpu.memory_space<hbm>> -> memref<1000000x128xf32, #tpu.memory_space<hbm>>
      tpu.wait_indirect_dma semaphore(%arg7 : memref<!tpu.dma_semaphore, #tpu.memory_space<semaphore_mem>>) src(%dma_wait3A_384 : memref<1000000x128xf32, #tpu.memory_space<hbm>>) dst(%dma_wait3A_379 : memref<40x128xf32, #tpu.memory_space<vmem>>)
      %dma_wait3A_385 = arith.constant 1 : i32
      %dma_wait3A_386 = arith.constant 0 : i32
      %dma_wait3A_387 = arith.constant 0 : i32
      %dma_wait3A_388 = tpu.memref_slice %arg6[%dma_wait3A_385, %dma_wait3A_386, %dma_wait3A_387] : memref<2x320x128xf32, #tpu.memory_space<vmem>> -> memref<1x320x128xf32, #tpu.memory_space<vmem>>
      %dma_wait3A_389 = tpu.memref_squeeze %dma_wait3A_388 : memref<1x320x128xf32, #tpu.memory_space<vmem>> -> memref<320x128xf32, #tpu.memory_space<vmem>>
      %dma_wait3A_390 = arith.constant 80 : i32
      %dma_wait3A_391 = arith.constant 0 : i32
      %dma_wait3A_392 = tpu.memref_slice %dma_wait3A_389[%dma_wait3A_390, %dma_wait3A_391] : memref<320x128xf32, #tpu.memory_space<vmem>> -> memref<40x128xf32, #tpu.memory_space<vmem>>
      %dma_wait3A_393 = arith.constant 80 : i32
      %dma_wait3A_394 = tpu.memref_slice %arg5[%dma_wait3A_393] : memref<25600xi32, #tpu.memory_space<vmem>> -> memref<40xi32, #tpu.memory_space<vmem>>
      %dma_wait3A_395 = arith.constant 0 : i32
      %dma_wait3A_396 = arith.constant 0 : i32
      %dma_wait3A_397 = tpu.memref_slice %arg3[%dma_wait3A_395, %dma_wait3A_396] : memref<1000000x128xf32, #tpu.memory_space<hbm>> -> memref<1000000x128xf32, #tpu.memory_space<hbm>>
      tpu.wait_indirect_dma semaphore(%arg7 : memref<!tpu.dma_semaphore, #tpu.memory_space<semaphore_mem>>) src(%dma_wait3A_397 : memref<1000000x128xf32, #tpu.memory_space<hbm>>) dst(%dma_wait3A_392 : memref<40x128xf32, #tpu.memory_space<vmem>>)
      %dma_wait3A_398 = arith.constant 1 : i32
      %dma_wait3A_399 = arith.constant 0 : i32
      %dma_wait3A_400 = arith.constant 0 : i32
      %dma_wait3A_401 = tpu.memref_slice %arg6[%dma_wait3A_398, %dma_wait3A_399, %dma_wait3A_400] : memref<2x320x128xf32, #tpu.memory_space<vmem>> -> memref<1x320x128xf32, #tpu.memory_space<vmem>>
      %dma_wait3A_402 = tpu.memref_squeeze %dma_wait3A_401 : memref<1x320x128xf32, #tpu.memory_space<vmem>> -> memref<320x128xf32, #tpu.memory_space<vmem>>
      %dma_wait3A_403 = arith.constant 120 : i32
      %dma_wait3A_404 = arith.constant 0 : i32
      %dma_wait3A_405 = tpu.memref_slice %dma_wait3A_402[%dma_wait3A_403, %dma_wait3A_404] : memref<320x128xf32, #tpu.memory_space<vmem>> -> memref<40x128xf32, #tpu.memory_space<vmem>>
      %dma_wait3A_406 = arith.constant 120 : i32
      %dma_wait3A_407 = tpu.memref_slice %arg5[%dma_wait3A_406] : memref<25600xi32, #tpu.memory_space<vmem>> -> memref<40xi32, #tpu.memory_space<vmem>>
      %dma_wait3A_408 = arith.constant 0 : i32
      %dma_wait3A_409 = arith.constant 0 : i32
      %dma_wait3A_410 = tpu.memref_slice %arg3[%dma_wait3A_408, %dma_wait3A_409] : memref<1000000x128xf32, #tpu.memory_space<hbm>> -> memref<1000000x128xf32, #tpu.memory_space<hbm>>
      tpu.wait_indirect_dma semaphore(%arg7 : memref<!tpu.dma_semaphore, #tpu.memory_space<semaphore_mem>>) src(%dma_wait3A_410 : memref<1000000x128xf32, #tpu.memory_space<hbm>>) dst(%dma_wait3A_405 : memref<40x128xf32, #tpu.memory_space<vmem>>)
      %dma_wait3A_411 = arith.constant 1 : i32
      %dma_wait3A_412 = arith.constant 0 : i32
      %dma_wait3A_413 = arith.constant 0 : i32
      %dma_wait3A_414 = tpu.memref_slice %arg6[%dma_wait3A_411, %dma_wait3A_412, %dma_wait3A_413] : memref<2x320x128xf32, #tpu.memory_space<vmem>> -> memref<1x320x128xf32, #tpu.memory_space<vmem>>
      %dma_wait3A_415 = tpu.memref_squeeze %dma_wait3A_414 : memref<1x320x128xf32, #tpu.memory_space<vmem>> -> memref<320x128xf32, #tpu.memory_space<vmem>>
      %dma_wait3A_416 = arith.constant 160 : i32
      %dma_wait3A_417 = arith.constant 0 : i32
      %dma_wait3A_418 = tpu.memref_slice %dma_wait3A_415[%dma_wait3A_416, %dma_wait3A_417] : memref<320x128xf32, #tpu.memory_space<vmem>> -> memref<40x128xf32, #tpu.memory_space<vmem>>
      %dma_wait3A_419 = arith.constant 160 : i32
      %dma_wait3A_420 = tpu.memref_slice %arg5[%dma_wait3A_419] : memref<25600xi32, #tpu.memory_space<vmem>> -> memref<40xi32, #tpu.memory_space<vmem>>
      %dma_wait3A_421 = arith.constant 0 : i32
      %dma_wait3A_422 = arith.constant 0 : i32
      %dma_wait3A_423 = tpu.memref_slice %arg3[%dma_wait3A_421, %dma_wait3A_422] : memref<1000000x128xf32, #tpu.memory_space<hbm>> -> memref<1000000x128xf32, #tpu.memory_space<hbm>>
      tpu.wait_indirect_dma semaphore(%arg7 : memref<!tpu.dma_semaphore, #tpu.memory_space<semaphore_mem>>) src(%dma_wait3A_423 : memref<1000000x128xf32, #tpu.memory_space<hbm>>) dst(%dma_wait3A_418 : memref<40x128xf32, #tpu.memory_space<vmem>>)
      %dma_wait3A_424 = arith.constant 1 : i32
      %dma_wait3A_425 = arith.constant 0 : i32
      %dma_wait3A_426 = arith.constant 0 : i32
      %dma_wait3A_427 = tpu.memref_slice %arg6[%dma_wait3A_424, %dma_wait3A_425, %dma_wait3A_426] : memref<2x320x128xf32, #tpu.memory_space<vmem>> -> memref<1x320x128xf32, #tpu.memory_space<vmem>>
      %dma_wait3A_428 = tpu.memref_squeeze %dma_wait3A_427 : memref<1x320x128xf32, #tpu.memory_space<vmem>> -> memref<320x128xf32, #tpu.memory_space<vmem>>
      %dma_wait3A_429 = arith.constant 200 : i32
      %dma_wait3A_430 = arith.constant 0 : i32
      %dma_wait3A_431 = tpu.memref_slice %dma_wait3A_428[%dma_wait3A_429, %dma_wait3A_430] : memref<320x128xf32, #tpu.memory_space<vmem>> -> memref<40x128xf32, #tpu.memory_space<vmem>>
      %dma_wait3A_432 = arith.constant 200 : i32
      %dma_wait3A_433 = tpu.memref_slice %arg5[%dma_wait3A_432] : memref<25600xi32, #tpu.memory_space<vmem>> -> memref<40xi32, #tpu.memory_space<vmem>>
      %dma_wait3A_434 = arith.constant 0 : i32
      %dma_wait3A_435 = arith.constant 0 : i32
      %dma_wait3A_436 = tpu.memref_slice %arg3[%dma_wait3A_434, %dma_wait3A_435] : memref<1000000x128xf32, #tpu.memory_space<hbm>> -> memref<1000000x128xf32, #tpu.memory_space<hbm>>
      tpu.wait_indirect_dma semaphore(%arg7 : memref<!tpu.dma_semaphore, #tpu.memory_space<semaphore_mem>>) src(%dma_wait3A_436 : memref<1000000x128xf32, #tpu.memory_space<hbm>>) dst(%dma_wait3A_431 : memref<40x128xf32, #tpu.memory_space<vmem>>)
      %dma_wait3A_437 = arith.constant 1 : i32
      %dma_wait3A_438 = arith.constant 0 : i32
      %dma_wait3A_439 = arith.constant 0 : i32
      %dma_wait3A_440 = tpu.memref_slice %arg6[%dma_wait3A_437, %dma_wait3A_438, %dma_wait3A_439] : memref<2x320x128xf32, #tpu.memory_space<vmem>> -> memref<1x320x128xf32, #tpu.memory_space<vmem>>
      %dma_wait3A_441 = tpu.memref_squeeze %dma_wait3A_440 : memref<1x320x128xf32, #tpu.memory_space<vmem>> -> memref<320x128xf32, #tpu.memory_space<vmem>>
      %dma_wait3A_442 = arith.constant 240 : i32
      %dma_wait3A_443 = arith.constant 0 : i32
      %dma_wait3A_444 = tpu.memref_slice %dma_wait3A_441[%dma_wait3A_442, %dma_wait3A_443] : memref<320x128xf32, #tpu.memory_space<vmem>> -> memref<40x128xf32, #tpu.memory_space<vmem>>
      %dma_wait3A_445 = arith.constant 240 : i32
      %dma_wait3A_446 = tpu.memref_slice %arg5[%dma_wait3A_445] : memref<25600xi32, #tpu.memory_space<vmem>> -> memref<40xi32, #tpu.memory_space<vmem>>
      %dma_wait3A_447 = arith.constant 0 : i32
      %dma_wait3A_448 = arith.constant 0 : i32
      %dma_wait3A_449 = tpu.memref_slice %arg3[%dma_wait3A_447, %dma_wait3A_448] : memref<1000000x128xf32, #tpu.memory_space<hbm>> -> memref<1000000x128xf32, #tpu.memory_space<hbm>>
      tpu.wait_indirect_dma semaphore(%arg7 : memref<!tpu.dma_semaphore, #tpu.memory_space<semaphore_mem>>) src(%dma_wait3A_449 : memref<1000000x128xf32, #tpu.memory_space<hbm>>) dst(%dma_wait3A_444 : memref<40x128xf32, #tpu.memory_space<vmem>>)
      %dma_wait3A_450 = arith.constant 1 : i32
      %dma_wait3A_451 = arith.constant 0 : i32
      %dma_wait3A_452 = arith.constant 0 : i32
      %dma_wait3A_453 = tpu.memref_slice %arg6[%dma_wait3A_450, %dma_wait3A_451, %dma_wait3A_452] : memref<2x320x128xf32, #tpu.memory_space<vmem>> -> memref<1x320x128xf32, #tpu.memory_space<vmem>>
      %dma_wait3A_454 = tpu.memref_squeeze %dma_wait3A_453 : memref<1x320x128xf32, #tpu.memory_space<vmem>> -> memref<320x128xf32, #tpu.memory_space<vmem>>
      %dma_wait3A_455 = arith.constant 280 : i32
      %dma_wait3A_456 = arith.constant 0 : i32
      %dma_wait3A_457 = tpu.memref_slice %dma_wait3A_454[%dma_wait3A_455, %dma_wait3A_456] : memref<320x128xf32, #tpu.memory_space<vmem>> -> memref<40x128xf32, #tpu.memory_space<vmem>>
      %dma_wait3A_458 = arith.constant 280 : i32
      %dma_wait3A_459 = tpu.memref_slice %arg5[%dma_wait3A_458] : memref<25600xi32, #tpu.memory_space<vmem>> -> memref<40xi32, #tpu.memory_space<vmem>>
      %dma_wait3A_460 = arith.constant 0 : i32
      %dma_wait3A_461 = arith.constant 0 : i32
      %dma_wait3A_462 = tpu.memref_slice %arg3[%dma_wait3A_460, %dma_wait3A_461] : memref<1000000x128xf32, #tpu.memory_space<hbm>> -> memref<1000000x128xf32, #tpu.memory_space<hbm>>
      tpu.wait_indirect_dma semaphore(%arg7 : memref<!tpu.dma_semaphore, #tpu.memory_space<semaphore_mem>>) src(%dma_wait3A_462 : memref<1000000x128xf32, #tpu.memory_space<hbm>>) dst(%dma_wait3A_457 : memref<40x128xf32, #tpu.memory_space<vmem>>)
      %mul3A_463 = arith.constant 320 : i32
      %mul3A_464 = arith.muli %add3A_358, %mul3A_463 : i32
      %add3A_465 = arith.addi %mul3A_2, %mul3A_464 : i32
      %dma_start3A_466 = arith.constant 1 : i32
      %dma_start3A_467 = arith.constant 0 : i32
      %dma_start3A_468 = arith.constant 0 : i32
      %dma_start3A_469 = tpu.memref_slice %arg6[%dma_start3A_466, %dma_start3A_467, %dma_start3A_468] : memref<2x320x128xf32, #tpu.memory_space<vmem>> -> memref<1x320x128xf32, #tpu.memory_space<vmem>>
      %dma_start3A_470 = tpu.memref_squeeze %dma_start3A_469 : memref<1x320x128xf32, #tpu.memory_space<vmem>> -> memref<320x128xf32, #tpu.memory_space<vmem>>
      %dma_start3A_471 = arith.constant 0 : i32
      %dma_start3A_472 = tpu.memref_slice %arg4[%add3A_465, %dma_start3A_471] : memref<819200x128xf32, #tpu.memory_space<hbm>> -> memref<320x128xf32, #tpu.memory_space<hbm>>
      %dma_start3A_473 = arith.constant 0 : i32
      %dma_start3A_474 = tpu.memref_slice %arg4[%add3A_465, %dma_start3A_473] : memref<819200x128xf32, #tpu.memory_space<hbm>> -> memref<320x128xf32, #tpu.memory_space<hbm>>
      %dma_start3A_475 = arith.constant 0 : i32
      %dma_start3A_476 = arith.constant 0 : i32
      %dma_start3A_477 = tpu.memref_slice %arg6[%dma_start3A_466, %dma_start3A_475, %dma_start3A_476] : memref<2x320x128xf32, #tpu.memory_space<vmem>> -> memref<1x320x128xf32, #tpu.memory_space<vmem>>
      %dma_start3A_478 = tpu.memref_squeeze %dma_start3A_477 : memref<1x320x128xf32, #tpu.memory_space<vmem>> -> memref<320x128xf32, #tpu.memory_space<vmem>>
      tpu.enqueue_dma source(%dma_start3A_478 : memref<320x128xf32, #tpu.memory_space<vmem>>) target(%dma_start3A_474 : memref<320x128xf32, #tpu.memory_space<hbm>>) target_semaphore(%arg8 : memref<!tpu.dma_semaphore, #tpu.memory_space<semaphore_mem>>)
      %dma_wait3A_479 = arith.constant 1 : i32
      %dma_wait3A_480 = arith.constant 0 : i32
      %dma_wait3A_481 = arith.constant 0 : i32
      %dma_wait3A_482 = tpu.memref_slice %arg6[%dma_wait3A_479, %dma_wait3A_480, %dma_wait3A_481] : memref<2x320x128xf32, #tpu.memory_space<vmem>> -> memref<1x320x128xf32, #tpu.memory_space<vmem>>
      %dma_wait3A_483 = tpu.memref_squeeze %dma_wait3A_482 : memref<1x320x128xf32, #tpu.memory_space<vmem>> -> memref<320x128xf32, #tpu.memory_space<vmem>>
      %dma_wait3A_484 = arith.constant 0 : i32
      %dma_wait3A_485 = tpu.memref_slice %arg4[%add3A_465, %dma_wait3A_484] : memref<819200x128xf32, #tpu.memory_space<hbm>> -> memref<320x128xf32, #tpu.memory_space<hbm>>
      %dma_wait3A_486 = arith.constant 0 : i32
      %dma_wait3A_487 = tpu.memref_slice %arg4[%add3A_465, %dma_wait3A_486] : memref<819200x128xf32, #tpu.memory_space<hbm>> -> memref<320x128xf32, #tpu.memory_space<hbm>>
      %dma_wait3A_488 = arith.constant 0 : i32
      %dma_wait3A_489 = arith.constant 0 : i32
      %dma_wait3A_490 = tpu.memref_slice %arg6[%dma_wait3A_479, %dma_wait3A_488, %dma_wait3A_489] : memref<2x320x128xf32, #tpu.memory_space<vmem>> -> memref<1x320x128xf32, #tpu.memory_space<vmem>>
      %dma_wait3A_491 = tpu.memref_squeeze %dma_wait3A_490 : memref<1x320x128xf32, #tpu.memory_space<vmem>> -> memref<320x128xf32, #tpu.memory_space<vmem>>
      tpu.wait_dma2 semaphore(%arg8 : memref<!tpu.dma_semaphore, #tpu.memory_space<semaphore_mem>>) src(%dma_wait3A_491 : memref<320x128xf32, #tpu.memory_space<vmem>>) dst(%dma_wait3A_487 : memref<320x128xf32, #tpu.memory_space<hbm>>)
      %add3A_492 = arith.constant 2 : i32
      %add3A_493 = arith.addi %add3A_358, %add3A_492 : i32
      %lt3A_494 = arith.constant 80 : i32
      %lt3A_495 = arith.cmpi slt, %add3A_493, %lt3A_494 : i32
      %convert_element_type3A_496 = arith.extui %lt3A_495 : i1 to i32
      %cond3A_497 = arith.constant 0 : i32
      %cond3A_498 = arith.cmpi ne, %convert_element_type3A_496, %cond3A_497 : i32
      scf.if %cond3A_498 {
        %add3A_499 = arith.constant 2 : i32
        %add3A_500 = arith.addi %add3A_358, %add3A_499 : i32
        %mul3A_501 = arith.constant 320 : i32
        %mul3A_502 = arith.muli %add3A_500, %mul3A_501 : i32
        %add3A_503 = arith.constant 0 : i32
        %add3A_504 = arith.addi %mul3A_502, %add3A_503 : i32
        %dma_start3A_505 = arith.constant 1 : i32
        %dma_start3A_506 = arith.constant 0 : i32
        %dma_start3A_507 = arith.constant 0 : i32
        %dma_start3A_508 = tpu.memref_slice %arg6[%dma_start3A_505, %dma_start3A_506, %dma_start3A_507] : memref<2x320x128xf32, #tpu.memory_space<vmem>> -> memref<1x320x128xf32, #tpu.memory_space<vmem>>
        %dma_start3A_509 = tpu.memref_squeeze %dma_start3A_508 : memref<1x320x128xf32, #tpu.memory_space<vmem>> -> memref<320x128xf32, #tpu.memory_space<vmem>>
        %dma_start3A_510 = arith.constant 0 : i32
        %dma_start3A_511 = arith.constant 0 : i32
        %dma_start3A_512 = tpu.memref_slice %dma_start3A_509[%dma_start3A_510, %dma_start3A_511] : memref<320x128xf32, #tpu.memory_space<vmem>> -> memref<40x128xf32, #tpu.memory_space<vmem>>
        %dma_start3A_513 = tpu.memref_slice %arg5[%add3A_504] : memref<25600xi32, #tpu.memory_space<vmem>> -> memref<40xi32, #tpu.memory_space<vmem>>
        %dma_start3A_514 = arith.constant 0 : i32
        %dma_start3A_515 = arith.constant 0 : i32
        %dma_start3A_516 = tpu.memref_slice %arg3[%dma_start3A_514, %dma_start3A_515] : memref<1000000x128xf32, #tpu.memory_space<hbm>> -> memref<1000000x128xf32, #tpu.memory_space<hbm>>
        tpu.enqueue_indirect_dma source(%dma_start3A_516 : memref<1000000x128xf32, #tpu.memory_space<hbm>>) target(%dma_start3A_512 : memref<40x128xf32, #tpu.memory_space<vmem>>) offsets(%dma_start3A_513 : memref<40xi32, #tpu.memory_space<vmem>>) semaphore(%arg7 : memref<!tpu.dma_semaphore, #tpu.memory_space<semaphore_mem>>)
        %mul3A_517 = arith.constant 320 : i32
        %mul3A_518 = arith.muli %add3A_500, %mul3A_517 : i32
        %add3A_519 = arith.constant 40 : i32
        %add3A_520 = arith.addi %mul3A_518, %add3A_519 : i32
        %dma_start3A_521 = arith.constant 1 : i32
        %dma_start3A_522 = arith.constant 0 : i32
        %dma_start3A_523 = arith.constant 0 : i32
        %dma_start3A_524 = tpu.memref_slice %arg6[%dma_start3A_521, %dma_start3A_522, %dma_start3A_523] : memref<2x320x128xf32, #tpu.memory_space<vmem>> -> memref<1x320x128xf32, #tpu.memory_space<vmem>>
        %dma_start3A_525 = tpu.memref_squeeze %dma_start3A_524 : memref<1x320x128xf32, #tpu.memory_space<vmem>> -> memref<320x128xf32, #tpu.memory_space<vmem>>
        %dma_start3A_526 = arith.constant 40 : i32
        %dma_start3A_527 = arith.constant 0 : i32
        %dma_start3A_528 = tpu.memref_slice %dma_start3A_525[%dma_start3A_526, %dma_start3A_527] : memref<320x128xf32, #tpu.memory_space<vmem>> -> memref<40x128xf32, #tpu.memory_space<vmem>>
        %dma_start3A_529 = tpu.memref_slice %arg5[%add3A_520] : memref<25600xi32, #tpu.memory_space<vmem>> -> memref<40xi32, #tpu.memory_space<vmem>>
        %dma_start3A_530 = arith.constant 0 : i32
        %dma_start3A_531 = arith.constant 0 : i32
        %dma_start3A_532 = tpu.memref_slice %arg3[%dma_start3A_530, %dma_start3A_531] : memref<1000000x128xf32, #tpu.memory_space<hbm>> -> memref<1000000x128xf32, #tpu.memory_space<hbm>>
        tpu.enqueue_indirect_dma source(%dma_start3A_532 : memref<1000000x128xf32, #tpu.memory_space<hbm>>) target(%dma_start3A_528 : memref<40x128xf32, #tpu.memory_space<vmem>>) offsets(%dma_start3A_529 : memref<40xi32, #tpu.memory_space<vmem>>) semaphore(%arg7 : memref<!tpu.dma_semaphore, #tpu.memory_space<semaphore_mem>>)
        %mul3A_533 = arith.constant 320 : i32
        %mul3A_534 = arith.muli %add3A_500, %mul3A_533 : i32
        %add3A_535 = arith.constant 80 : i32
        %add3A_536 = arith.addi %mul3A_534, %add3A_535 : i32
        %dma_start3A_537 = arith.constant 1 : i32
        %dma_start3A_538 = arith.constant 0 : i32
        %dma_start3A_539 = arith.constant 0 : i32
        %dma_start3A_540 = tpu.memref_slice %arg6[%dma_start3A_537, %dma_start3A_538, %dma_start3A_539] : memref<2x320x128xf32, #tpu.memory_space<vmem>> -> memref<1x320x128xf32, #tpu.memory_space<vmem>>
        %dma_start3A_541 = tpu.memref_squeeze %dma_start3A_540 : memref<1x320x128xf32, #tpu.memory_space<vmem>> -> memref<320x128xf32, #tpu.memory_space<vmem>>
        %dma_start3A_542 = arith.constant 80 : i32
        %dma_start3A_543 = arith.constant 0 : i32
        %dma_start3A_544 = tpu.memref_slice %dma_start3A_541[%dma_start3A_542, %dma_start3A_543] : memref<320x128xf32, #tpu.memory_space<vmem>> -> memref<40x128xf32, #tpu.memory_space<vmem>>
        %dma_start3A_545 = tpu.memref_slice %arg5[%add3A_536] : memref<25600xi32, #tpu.memory_space<vmem>> -> memref<40xi32, #tpu.memory_space<vmem>>
        %dma_start3A_546 = arith.constant 0 : i32
        %dma_start3A_547 = arith.constant 0 : i32
        %dma_start3A_548 = tpu.memref_slice %arg3[%dma_start3A_546, %dma_start3A_547] : memref<1000000x128xf32, #tpu.memory_space<hbm>> -> memref<1000000x128xf32, #tpu.memory_space<hbm>>
        tpu.enqueue_indirect_dma source(%dma_start3A_548 : memref<1000000x128xf32, #tpu.memory_space<hbm>>) target(%dma_start3A_544 : memref<40x128xf32, #tpu.memory_space<vmem>>) offsets(%dma_start3A_545 : memref<40xi32, #tpu.memory_space<vmem>>) semaphore(%arg7 : memref<!tpu.dma_semaphore, #tpu.memory_space<semaphore_mem>>)
        %mul3A_549 = arith.constant 320 : i32
        %mul3A_550 = arith.muli %add3A_500, %mul3A_549 : i32
        %add3A_551 = arith.constant 120 : i32
        %add3A_552 = arith.addi %mul3A_550, %add3A_551 : i32
        %dma_start3A_553 = arith.constant 1 : i32
        %dma_start3A_554 = arith.constant 0 : i32
        %dma_start3A_555 = arith.constant 0 : i32
        %dma_start3A_556 = tpu.memref_slice %arg6[%dma_start3A_553, %dma_start3A_554, %dma_start3A_555] : memref<2x320x128xf32, #tpu.memory_space<vmem>> -> memref<1x320x128xf32, #tpu.memory_space<vmem>>
        %dma_start3A_557 = tpu.memref_squeeze %dma_start3A_556 : memref<1x320x128xf32, #tpu.memory_space<vmem>> -> memref<320x128xf32, #tpu.memory_space<vmem>>
        %dma_start3A_558 = arith.constant 120 : i32
        %dma_start3A_559 = arith.constant 0 : i32
        %dma_start3A_560 = tpu.memref_slice %dma_start3A_557[%dma_start3A_558, %dma_start3A_559] : memref<320x128xf32, #tpu.memory_space<vmem>> -> memref<40x128xf32, #tpu.memory_space<vmem>>
        %dma_start3A_561 = tpu.memref_slice %arg5[%add3A_552] : memref<25600xi32, #tpu.memory_space<vmem>> -> memref<40xi32, #tpu.memory_space<vmem>>
        %dma_start3A_562 = arith.constant 0 : i32
        %dma_start3A_563 = arith.constant 0 : i32
        %dma_start3A_564 = tpu.memref_slice %arg3[%dma_start3A_562, %dma_start3A_563] : memref<1000000x128xf32, #tpu.memory_space<hbm>> -> memref<1000000x128xf32, #tpu.memory_space<hbm>>
        tpu.enqueue_indirect_dma source(%dma_start3A_564 : memref<1000000x128xf32, #tpu.memory_space<hbm>>) target(%dma_start3A_560 : memref<40x128xf32, #tpu.memory_space<vmem>>) offsets(%dma_start3A_561 : memref<40xi32, #tpu.memory_space<vmem>>) semaphore(%arg7 : memref<!tpu.dma_semaphore, #tpu.memory_space<semaphore_mem>>)
        %mul3A_565 = arith.constant 320 : i32
        %mul3A_566 = arith.muli %add3A_500, %mul3A_565 : i32
        %add3A_567 = arith.constant 160 : i32
        %add3A_568 = arith.addi %mul3A_566, %add3A_567 : i32
        %dma_start3A_569 = arith.constant 1 : i32
        %dma_start3A_570 = arith.constant 0 : i32
        %dma_start3A_571 = arith.constant 0 : i32
        %dma_start3A_572 = tpu.memref_slice %arg6[%dma_start3A_569, %dma_start3A_570, %dma_start3A_571] : memref<2x320x128xf32, #tpu.memory_space<vmem>> -> memref<1x320x128xf32, #tpu.memory_space<vmem>>
        %dma_start3A_573 = tpu.memref_squeeze %dma_start3A_572 : memref<1x320x128xf32, #tpu.memory_space<vmem>> -> memref<320x128xf32, #tpu.memory_space<vmem>>
        %dma_start3A_574 = arith.constant 160 : i32
        %dma_start3A_575 = arith.constant 0 : i32
        %dma_start3A_576 = tpu.memref_slice %dma_start3A_573[%dma_start3A_574, %dma_start3A_575] : memref<320x128xf32, #tpu.memory_space<vmem>> -> memref<40x128xf32, #tpu.memory_space<vmem>>
        %dma_start3A_577 = tpu.memref_slice %arg5[%add3A_568] : memref<25600xi32, #tpu.memory_space<vmem>> -> memref<40xi32, #tpu.memory_space<vmem>>
        %dma_start3A_578 = arith.constant 0 : i32
        %dma_start3A_579 = arith.constant 0 : i32
        %dma_start3A_580 = tpu.memref_slice %arg3[%dma_start3A_578, %dma_start3A_579] : memref<1000000x128xf32, #tpu.memory_space<hbm>> -> memref<1000000x128xf32, #tpu.memory_space<hbm>>
        tpu.enqueue_indirect_dma source(%dma_start3A_580 : memref<1000000x128xf32, #tpu.memory_space<hbm>>) target(%dma_start3A_576 : memref<40x128xf32, #tpu.memory_space<vmem>>) offsets(%dma_start3A_577 : memref<40xi32, #tpu.memory_space<vmem>>) semaphore(%arg7 : memref<!tpu.dma_semaphore, #tpu.memory_space<semaphore_mem>>)
        %mul3A_581 = arith.constant 320 : i32
        %mul3A_582 = arith.muli %add3A_500, %mul3A_581 : i32
        %add3A_583 = arith.constant 200 : i32
        %add3A_584 = arith.addi %mul3A_582, %add3A_583 : i32
        %dma_start3A_585 = arith.constant 1 : i32
        %dma_start3A_586 = arith.constant 0 : i32
        %dma_start3A_587 = arith.constant 0 : i32
        %dma_start3A_588 = tpu.memref_slice %arg6[%dma_start3A_585, %dma_start3A_586, %dma_start3A_587] : memref<2x320x128xf32, #tpu.memory_space<vmem>> -> memref<1x320x128xf32, #tpu.memory_space<vmem>>
        %dma_start3A_589 = tpu.memref_squeeze %dma_start3A_588 : memref<1x320x128xf32, #tpu.memory_space<vmem>> -> memref<320x128xf32, #tpu.memory_space<vmem>>
        %dma_start3A_590 = arith.constant 200 : i32
        %dma_start3A_591 = arith.constant 0 : i32
        %dma_start3A_592 = tpu.memref_slice %dma_start3A_589[%dma_start3A_590, %dma_start3A_591] : memref<320x128xf32, #tpu.memory_space<vmem>> -> memref<40x128xf32, #tpu.memory_space<vmem>>
        %dma_start3A_593 = tpu.memref_slice %arg5[%add3A_584] : memref<25600xi32, #tpu.memory_space<vmem>> -> memref<40xi32, #tpu.memory_space<vmem>>
        %dma_start3A_594 = arith.constant 0 : i32
        %dma_start3A_595 = arith.constant 0 : i32
        %dma_start3A_596 = tpu.memref_slice %arg3[%dma_start3A_594, %dma_start3A_595] : memref<1000000x128xf32, #tpu.memory_space<hbm>> -> memref<1000000x128xf32, #tpu.memory_space<hbm>>
        tpu.enqueue_indirect_dma source(%dma_start3A_596 : memref<1000000x128xf32, #tpu.memory_space<hbm>>) target(%dma_start3A_592 : memref<40x128xf32, #tpu.memory_space<vmem>>) offsets(%dma_start3A_593 : memref<40xi32, #tpu.memory_space<vmem>>) semaphore(%arg7 : memref<!tpu.dma_semaphore, #tpu.memory_space<semaphore_mem>>)
        %mul3A_597 = arith.constant 320 : i32
        %mul3A_598 = arith.muli %add3A_500, %mul3A_597 : i32
        %add3A_599 = arith.constant 240 : i32
        %add3A_600 = arith.addi %mul3A_598, %add3A_599 : i32
        %dma_start3A_601 = arith.constant 1 : i32
        %dma_start3A_602 = arith.constant 0 : i32
        %dma_start3A_603 = arith.constant 0 : i32
        %dma_start3A_604 = tpu.memref_slice %arg6[%dma_start3A_601, %dma_start3A_602, %dma_start3A_603] : memref<2x320x128xf32, #tpu.memory_space<vmem>> -> memref<1x320x128xf32, #tpu.memory_space<vmem>>
        %dma_start3A_605 = tpu.memref_squeeze %dma_start3A_604 : memref<1x320x128xf32, #tpu.memory_space<vmem>> -> memref<320x128xf32, #tpu.memory_space<vmem>>
        %dma_start3A_606 = arith.constant 240 : i32
        %dma_start3A_607 = arith.constant 0 : i32
        %dma_start3A_608 = tpu.memref_slice %dma_start3A_605[%dma_start3A_606, %dma_start3A_607] : memref<320x128xf32, #tpu.memory_space<vmem>> -> memref<40x128xf32, #tpu.memory_space<vmem>>
        %dma_start3A_609 = tpu.memref_slice %arg5[%add3A_600] : memref<25600xi32, #tpu.memory_space<vmem>> -> memref<40xi32, #tpu.memory_space<vmem>>
        %dma_start3A_610 = arith.constant 0 : i32
        %dma_start3A_611 = arith.constant 0 : i32
        %dma_start3A_612 = tpu.memref_slice %arg3[%dma_start3A_610, %dma_start3A_611] : memref<1000000x128xf32, #tpu.memory_space<hbm>> -> memref<1000000x128xf32, #tpu.memory_space<hbm>>
        tpu.enqueue_indirect_dma source(%dma_start3A_612 : memref<1000000x128xf32, #tpu.memory_space<hbm>>) target(%dma_start3A_608 : memref<40x128xf32, #tpu.memory_space<vmem>>) offsets(%dma_start3A_609 : memref<40xi32, #tpu.memory_space<vmem>>) semaphore(%arg7 : memref<!tpu.dma_semaphore, #tpu.memory_space<semaphore_mem>>)
        %mul3A_613 = arith.constant 320 : i32
        %mul3A_614 = arith.muli %add3A_500, %mul3A_613 : i32
        %add3A_615 = arith.constant 280 : i32
        %add3A_616 = arith.addi %mul3A_614, %add3A_615 : i32
        %dma_start3A_617 = arith.constant 1 : i32
        %dma_start3A_618 = arith.constant 0 : i32
        %dma_start3A_619 = arith.constant 0 : i32
        %dma_start3A_620 = tpu.memref_slice %arg6[%dma_start3A_617, %dma_start3A_618, %dma_start3A_619] : memref<2x320x128xf32, #tpu.memory_space<vmem>> -> memref<1x320x128xf32, #tpu.memory_space<vmem>>
        %dma_start3A_621 = tpu.memref_squeeze %dma_start3A_620 : memref<1x320x128xf32, #tpu.memory_space<vmem>> -> memref<320x128xf32, #tpu.memory_space<vmem>>
        %dma_start3A_622 = arith.constant 280 : i32
        %dma_start3A_623 = arith.constant 0 : i32
        %dma_start3A_624 = tpu.memref_slice %dma_start3A_621[%dma_start3A_622, %dma_start3A_623] : memref<320x128xf32, #tpu.memory_space<vmem>> -> memref<40x128xf32, #tpu.memory_space<vmem>>
        %dma_start3A_625 = tpu.memref_slice %arg5[%add3A_616] : memref<25600xi32, #tpu.memory_space<vmem>> -> memref<40xi32, #tpu.memory_space<vmem>>
        %dma_start3A_626 = arith.constant 0 : i32
        %dma_start3A_627 = arith.constant 0 : i32
        %dma_start3A_628 = tpu.memref_slice %arg3[%dma_start3A_626, %dma_start3A_627] : memref<1000000x128xf32, #tpu.memory_space<hbm>> -> memref<1000000x128xf32, #tpu.memory_space<hbm>>
        tpu.enqueue_indirect_dma source(%dma_start3A_628 : memref<1000000x128xf32, #tpu.memory_space<hbm>>) target(%dma_start3A_624 : memref<40x128xf32, #tpu.memory_space<vmem>>) offsets(%dma_start3A_625 : memref<40xi32, #tpu.memory_space<vmem>>) semaphore(%arg7 : memref<!tpu.dma_semaphore, #tpu.memory_space<semaphore_mem>>)
      } else {
      }
    }
    %scan3A_213 = arith.constant 40 : i32
    return
  }
}

</mosaic_0001>

<sc_bundles>
// kernel: kernel.3.cloned.1.call-start
scs
__scs_entry_jumppad:
0x0: {  	(pc) =	sbr.rel $0x88, $3  }
0x1: {  	(tag) =	ssettag $0x0;
	lr =	simm.s32 $0x1  }
0x2: {  	[smem:$0x3F9F] =	sst lr;
	_ =	strace $0xD0000000  }
0x3: {  	_ = 	snop  }
0x4: {  	_ = 	snop  }
0x5: {  	_ = 	snop  }
0x6: {  	_ = 	snop  }
0x7: {  	_ = 	snop  }
__scs_overlays_trampoline_lowered:
0x8: {  	[smem:$0x3FAE] =	sst s0  }
0x9: {  	[smem:$0x3FAF] =	sst s1  }
0xa: {  	[smem:$0x3FB0] =	sst s2  }
0xb: {  	[smem:$0x3FB1] =	sst s3  }
0xc: {  	[smem:$0x3FB2] =	sst s4  }
0xd: {  	[smem:$0x3FB3] =	sst s5  }
0xe: {  	[smem:$0x3FB4] =	sst s6  }
0xf: {  	[smem:$0x3FB5] =	sst s7  }
0x10: {  	[smem:$0x3FB6] =	sst s8  }
0x11: {  	[smem:$0x3FB7] =	sst s9;
	s0 =	simm.s32 @!p0 $0x0  }
0x12: {  	s1 =	sld [smem:$0x3F9D];
	s0 =	simm.s32 @p0 $0x1  }
0x13: {  	[smem:$0x3FB8] =	sst s0;
	s0 =	simm.s32 @!p1 $0x0  }
0x14: {  	s2 =	sld [smem:$0x3F9C];
	s0 =	simm.s32 @p1 $0x1  }
0x15: {  	[smem:$0x3FB9] =	sst s0;
	s0 =	simm.s32 @!p2 $0x0  }
0x16: {  	s3 =	sld [smem:$0x3FDB];
	s0 =	simm.s32 @p2 $0x1  }
0x17: {  	s4 =	simm.s32 $0x1BF5;
	[smem:$0x3FBB] =	sst s0  }
0x18: {  	s0 =	sld [smem:$0x3F9E];
	_ =	swait.ge [sflag:s4], $0x0  }
0x19: {  	s7 =	sld [smem:$0x3F9F]  }
0x1a: {  	s8 =	sadd.s32 $0xFFFFE003, lr  }
0x1b: {  	s9 =	sadd.s32 $0xFFFFFEF7, lr;
	s5 =	simm.s32 $0xFFFFFFFF;
	p2 =	slt.u32 s8, $0xFFFFF086  }
0x1c: {  	p1 =	slt.u32 s9, $0xF7A;
	s5 =	simm.s32 @!p2 $0x0  }
0x1d: {  	s5 =	simm.s32 @p1 $0x1;
	p0 =	seq.s32 s7, s2  }
0x1e: {  	s7 =	smul.u32 @!p0 $0xF7A, s2;
	p2 =	seq.s32 @!p0 s5, $0x0  }
0x1f: {  	s9 =	smul.u32 $0xF7A, s1;
	s8 =	simm.s32 @!p0 $0x1BF5;
	p2 =	por !p2, p0  }
0x20: {  	[sflag:s8] =	ssyncset.s32 @!p0 $0xFFFFF086;
	s6 =	sadd.s32 @!p0 s3, s7;
	s7 =	simm.s32 @!p0 $0x108  }
0x21: {  	s3 =	sadd.s32 s3, s9;
	s6 =	sadd.s32 @!p0 $0x88, s6;
	s7 =	simm.s32 @p2 $0x1082  }
0x22: {  	[simem:s7], [sflag:s8] =	dma.local @!p0 [hbm:s6], $0xF7A  }
0x23: {  	s9 =	sor.u32 $0xD0000000, s2;
	s6 =	simm.s32 $0x108;
	_ =	swait.ge @!p0 [sflag:s8], $0x0  }
0x24: {  	s3 =	sadd.s32 $0x88, s3;
	s6 =	simm.s32 @!p1 $0x1082;
	[sflag:s4] =	ssyncset.s32 $0xFFFFF086  }
0x25: {  	[simem:s6], [sflag:s4] =	dma.local [hbm:s3], $0xF7A  }
0x26: {  	[smem:$0x3F9F] =	sst s1;
	(tag) =	ssettag s2;
	_ =	strace s9  }
0x27: {  	s1 =	sld [smem:$0x3FAF]  }
0x28: {  	s2 =	sld [smem:$0x3FB0]  }
0x29: {  	s4 =	sld [smem:$0x3FB2]  }
0x2a: {  	p0 =	seq.s32 s5, $0x0;
	s5 =	sld [smem:$0x3FB3]  }
0x2b: {  	s6 =	sld [smem:$0x3FB4]  }
0x2c: {  	s7 =	sld [smem:$0x3FB5]  }
0x2d: {  	s3 =	simm.s32 $0x108;
	s8 =	sld [smem:$0x3FB6]  }
0x2e: {  	s3 =	simm.s32 @!p0 $0x1082;
	s9 =	sld [smem:$0x3FB7]  }
0x2f: {  	lr =	sadd.s32 s0, s3;
	s0 =	sld [smem:$0x3FAE]  }
0x30: {  	s3 =	sld [smem:$0x3FB1]  }
0x31: {  	[smem:$0x3FBA] =	sst s10  }
0x32: {  	s10 =	sld [smem:$0x3FB8];
	_ =	sdelay $0x3  }
0x33: {  	p0 =	seq.s32 s10, $0x1;
	s10 =	sld [smem:$0x3FBA];
	_ =	sdelay $0x3  }
0x34: {  	[smem:$0x3FBA] =	sst s10  }
0x35: {  	s10 =	sld [smem:$0x3FB9];
	_ =	sdelay $0x3  }
0x36: {  	p1 =	seq.s32 s10, $0x1;
	s10 =	sld [smem:$0x3FBA];
	_ =	sdelay $0x3  }
0x37: {  	[smem:$0x3FBA] =	sst s10  }
0x38: {  	s10 =	sld [smem:$0x3FBB]  }
0x39: {  	_ = 	snop;
	(pc) =	sbr.ind lr, $3  }
0x3a: {  	_ = 	snop  }
0x3b: {  	_ = 	snop  }
0x3c: {  	p2 =	seq.s32 s10, $0x1;
	s10 =	sld [smem:$0x3FBA]  }
0x3d: {  	_ =	shalt  }
0x3e: {  	_ =	shalt  }
0x3f: {  	_ =	shalt  }
0x40: {  	_ =	shalt  }
0x41: {  	_ =	shalt  }
0x42: {  	_ =	shalt  }
0x43: {  	_ =	shalt  }
0x44: {  	_ =	shalt  }
0x45: {  	_ =	shalt  }
0x46: {  	_ =	shalt  }
0x47: {  	_ =	shalt  }
0x48: {  	_ =	shalt  }
0x49: {  	_ =	shalt  }
0x4a: {  	_ =	shalt  }
0x4b: {  	_ =	shalt  }
0x4c: {  	_ =	shalt  }
0x4d: {  	_ =	shalt  }
0x4e: {  	_ =	shalt  }
0x4f: {  	_ =	shalt  }
0x50: {  	_ =	shalt  }
0x51: {  	_ =	shalt  }
0x52: {  	_ =	shalt  }
0x53: {  	_ =	shalt  }
0x54: {  	_ =	shalt  }
0x55: {  	_ =	shalt  }
0x56: {  	_ =	shalt  }
0x57: {  	_ =	shalt  }
0x58: {  	_ =	shalt  }
0x59: {  	_ =	shalt  }
0x5a: {  	_ =	shalt  }
0x5b: {  	_ =	shalt  }
0x5c: {  	_ =	shalt  }
0x5d: {  	_ =	shalt  }
0x5e: {  	_ =	shalt  }
0x5f: {  	_ =	shalt  }
0x60: {  	_ =	shalt  }
0x61: {  	_ =	shalt  }
0x62: {  	_ =	shalt  }
0x63: {  	_ =	shalt  }
0x64: {  	_ =	shalt  }
0x65: {  	_ =	shalt  }
0x66: {  	_ =	shalt  }
0x67: {  	_ =	shalt  }
0x68: {  	_ =	shalt  }
0x69: {  	_ =	shalt  }
0x6a: {  	_ =	shalt  }
0x6b: {  	_ =	shalt  }
0x6c: {  	_ =	shalt  }
0x6d: {  	_ =	shalt  }
0x6e: {  	_ =	shalt  }
0x6f: {  	_ =	shalt  }
0x70: {  	_ =	shalt  }
0x71: {  	_ =	shalt  }
0x72: {  	_ =	shalt  }
0x73: {  	_ =	shalt  }
0x74: {  	_ =	shalt  }
0x75: {  	_ =	shalt  }
0x76: {  	_ =	shalt  }
0x77: {  	_ =	shalt  }
0x78: {  	_ =	shalt  }
0x79: {  	_ =	shalt  }
0x7a: {  	_ =	shalt  }
0x7b: {  	_ =	shalt  }
0x7c: {  	_ =	shalt  }
0x7d: {  	_ =	shalt  }
0x7e: {  	_ =	shalt  }
0x7f: {  	_ =	shalt  }
0x80: {  	_ =	shalt  }
0x81: {  	_ =	shalt  }
0x82: {  	_ =	shalt  }
0x83: {  	_ =	shalt  }
0x84: {  	_ =	shalt  }
0x85: {  	_ =	shalt  }
0x86: {  	_ =	shalt  }
0x87: {  	_ =	shalt  }
.Lfunc_end0:
.L_simem_size_0:
called_computation.1_lowered:
.L_overlay_start_0:
0x88: {  	s2 =	sld [smem:$0x3FD9]  }
0x89: {  	s3 =	sld [smem:$0x3FFE];
	_ =	sdelay $0x1  }
0x8a: {  	s1 =	srdreg.scid  }
0x8b: {  	s0 =	sand.u32 $0x1, s1  }
0x8c: {  	s17 =	sshll.u32 s0, $0xA;
	s2 =	sadd.s32 s3, s2  }
0x8d: {  	s2 =	sadd.s32 s2, s17  }
0x8e: {  	[smem:$0x3FC6] =	sst s2  }
0x8f: {  	_ = 	snop  }
0x90: {  	s2 =	sld [smem:$0x3FD0];
	(tm) =	ssettm $0x1  }
0x91: {  	s18 =	sld [smem:$0x3FFB];
	_ =	sdelay $0x3  }
0x92: {  	_ =	strace s18  }
0x93: {  	s3 =	sld [smem:$0x3FFC];
	_ =	sdelay $0x3  }
0x94: {  	_ =	strace s3  }
0x95: {  	s3 =	sld [smem:$0x3FFD];
	_ =	sdelay $0x3  }
0x96: {  	_ =	strace s3  }
0x97: {  	_ =	strace $0x8FFFFFFF  }
0x98: {  	s19 =	sld [smem:$0x3FDB];
	_ =	sdelay $0x1  }
0x99: {  	s4 =	simm.s32 $_scs_section_size  }
0x9a: {  	s5 =	simm.s32 $_size__tile_overlayer_lowered;
	s6 =	simm.s32 $_tile_overlayer_lowered  }
0x9b: {  	s22 =	simm.s32 $0x1BFF;
	s21 =	sshll.u32 s6, $0x1;
	s3 =	sadd.s32 s4, s19  }
0x9c: {  	s7 =	simm.s32 $0x0;
	s20 =	sshll.u32 s5, $0x1;
	s5 =	sadd.s32 s21, s3  }
0x9d: {  	[timem:s7], [sflag:s22] =	dma.local [hbm:s5], s20  }
0x9e: {  	_ =	swait.ge [sflag:s22], s20  }
0x9f: {  	s4 =	ssub.s32 $0x0, s20;
	[sflag:s22] =	ssyncset.done $0x0  }
0xa0: {  	[sflag:s22] =	ssyncadd.s32 s4;
	_ =	sdelay $0x1  }
0xa1: {  	s23 =	simm.s32 $0x1B8B  }
0xa2: {  	_ =	swait.ge [sflag:s23], $0x1  }
0xa3: {  	[sflag:s23] =	ssyncset.done $0x0  }
0xa4: {  	s25 =	simm.s32 $0x1B8E;
	s24 =	sld [smem:$0x3FFE];
	[sflag:s23] =	ssyncadd.s32 $0xFFFFFFFF  }
0xa5: {  	s26 =	simm.s32 $execute0_lowered;
	[smem:$0x3FD2] =	sst s25  }
0xa6: {  	s5 =	sshll.u32 s26, $0x1;
	_ =	strace $0x80000046;
	[dreg:$0x1] =	wrdreg $0xFFFFFFFF  }
0xa7: {  	s28 =	simm.s32 $_size_execute0_lowered;
	s3 =	sadd.s32 s3, s5;
	[dreg:$0x0] =	wrdreg $0x0  }
0xa8: {  	s5 =	sshll.u32 s28, $0x1;
	[dreg:$0x2] =	wrdreg s3  }
0xa9: {  	[dreg:$0x3] =	wrdreg s5  }
0xaa: {  	[dreg:$0x4] =	wrdreg $0xC0  }
0xab: {  	_ =	task [dreg:s7], $0x5FFFF  }
0xac: {  	[dreg:$0x1] =	wrdreg $0xFFFFFFFF  }
0xad: {  	[dreg:$0x0] =	wrdreg $0x60  }
0xae: {  	[dreg:$0x2] =	wrdreg s2  }
0xaf: {  	[dreg:$0x3] =	wrdreg s24  }
0xb0: {  	[dreg:$0x4] =	wrdreg $0x9  }
0xb1: {  	_ =	task.clear_ibuf [dreg:s7], $0x5FFFF;
	_ =	strace $0x90000046  }
0xb2: {  	s29 =	simm.s32 $0x9;
	_ =	strace $0x80000048  }
0xb3: {  	_ =	swait.ge [sflag:s29], $0x1  }
0xb4: {  	[sflag:s29] =	ssyncadd.s32 $0xFFFFFFFF  }
0xb5: {  	_ =	strace $0x90000048  }
0xb6: {  	_ =	sfence  }
0xb7: {  	s30 =	sld [smem:$0x0];
	_ =	sdelay $0x2  }
0xb8: {  	s31 =	sshll.u32 s1, $0xD;
	s1 =	sshrl.u32 s1, $0x2  }
0xb9: {  	s3 =	sand.u32 $0x4000, s31;
	s1 =	sadd.s32 s1, s30  }
0xba: {  	s0 =	sor.u32 s3, s0;
	s1 =	sshll.u32 s1, $0x11  }
0xbb: {  	s0 =	sor.u32 s1, s0  }
0xbc: {  	s0 =	sadd.s32 $0x8F2B, s0  }
0xbd: {  	[sflag:s0] =	ssyncadd.remote.s32 $0x1  }
0xbe: {  	_ =	sfence.sel $0xFFFF  }
0xbf: {  	[dreg:$0x0] =	wrdreg $0xFFFFFFFF;
	(pc) =	sbr.abs _section_cstart, $3  }
0xc0: {  	[dreg:$0x1] =	wrdreg $0xFFFFFFFF  }
0xc1: {  	_ =	task.clear_ibuf [dreg:s7], $0x2FFFF;
	_ =	strace $0x9FFFFFFF  }
0xc2: {  	(tm) =	ssettm $0x7FFFFFFF  }
0xc3: {  	_ =	shalt  }
tec
execute0_lowered:
.L_overlay_start_1:
0x0: {  	(tag) =	ssettag $0x1  }
0x1: {  	s0 =	rddreg [dreg:$0x0]  }
0x2: {  	s1 =	rddreg [dreg:$0x1]  }
0x3: {  	s5 =	stileid.u32;
	s3 =	srdreg.scid;
	s2 =	simm.s32 $0x0  }
0x4: {  	s28 =	simm.s32 $0x190;
	s29 =	simm.s32 $0x12C00;
	s30 =	simm.s32 $0x1B8  }
0x5: {  	s31 =	simm.s32 $0x14000;
	s10 =	simm.s32 $0x208;
	s11 =	simm.s32 $0x16800  }
0x6: {  	s12 =	simm.s32 $0x230;
	s13 =	simm.s32 $0x17C00;
	s14 =	simm.s32 $0x258  }
0x7: {  	s15 =	simm.s32 $0x19000;
	s16 =	simm.s32 $0x1;
	s17 =	simm.s32 $0x2  }
0x8: {  	s18 =	simm.s32 $0x0;
	s4 =	sand.u32 $0x1, s3;
	s23 =	sshll.u32 s5, $0x1  }
0x9: {  	[smem:$0x7FF] =	sst s2;
	s5 =	smul.u32 $0xC8000, s5;
	s3 =	sor.u32 s4, s23  }
0xa: {  	_ =	strace $0x80000047;
	s6 =	ssub.s32 $0x2, s4;
	s9 =	smul.u32 $0x64000, s4  }
0xb: {  	s7 =	smul.u32 $0x6400, s3;
	s3 =	sadd.s32 $0xF42E00, s1;
	s8 =	sshrl.u32 s6, $0x1  }
.Ltmp0:
0xc: {  	s1 =	sadd.s32 s5, s1;
	s24 =	ssub.s32 s6, s8;
	(pc) =	sbr.rel .LBB2_1-.Ltmp0, $4  }
0xd: {  	s26 =	sadd.s32 s9, s1;
	s8 =	simm.s32 $0x28;
	s9 =	simm.s32 $0x6400  }
0xe: {  	s1 =	simm.s32 $0x15400;
	s25 =	sshrl.u32 s7, $0x3;
	s5 =	smax.u32 s24, $0x1  }
0xf: {  	s20 =	sadd.s32 $0x1E00, s26;
	s7 =	simm.s32 $0x3;
	s24 =	simm.s32 $0x10400  }
0x10: {  	s26 =	simm.s32 $0x11800;
	s4 =	sadd.s32 s0, s25;
	s0 =	simm.s32 $0x1E0  }
.LBB2_4:
0x11: {  	s18 =	sadd.s32 $0x1, s18  }
0x12: {  	p0 =	sne.s32 s18, s5  }
.Ltmp1:
0x13: {  	_ = 	snop;
	(pc) =	sbr.rel @!p0 .LBB2_5-.Ltmp1, $1  }
0x14: {  	_ =	sdelay $0x3  }
.LBB2_1:
0x15: {  	[tilespmem:s2], [sflag:$0x3] =	stream.linear.gather [hbm4b:s4+s2], $0x6400, $0x38;
	[tilespmem:$0x1A400] =	vst v63  }
0x16: {  	_ =	swait.ge [sflag:s7], $0x6400  }
0x17: {  	[sflag:s7] =	ssyncset.done $0x0  }
0x18: {  	[sflag:s7] =	ssyncadd.s32 $0xFFFF9C00  }
0x19: {  	[tilespmem:s9], [sflag:$0x1] =	stream.indirect.gather [hbm4b:s3+s8], $0x80, s2, s8, $0xb8;
	[tilespmem:$0x1A400] =	vst v63  }
0x1a: {  	s6 =	simm.s32 $0x7800  }
0x1b: {  	[tilespmem:s6], [sflag:$0x1] =	stream.indirect.gather [hbm4b:s3+s8], $0x80, s8, s8, $0xb8;
	[tilespmem:$0x1A400] =	vst v63  }
0x1c: {  	s25 =	simm.s32 $0x50;
	s19 =	simm.s32 $0x8C00  }
0x1d: {  	[tilespmem:s19], [sflag:$0x1] =	stream.indirect.gather [hbm4b:s3+s8], $0x80, s25, s8, $0xb8;
	[tilespmem:$0x1A400] =	vst v63  }
0x1e: {  	s21 =	simm.s32 $0x78;
	s22 =	simm.s32 $0xA000  }
0x1f: {  	[tilespmem:s22], [sflag:$0x1] =	stream.indirect.gather [hbm4b:s3+s8], $0x80, s21, s8, $0xb8;
	[tilespmem:$0x1A400] =	vst v63  }
0x20: {  	s23 =	simm.s32 $0xA0;
	s25 =	simm.s32 $0xB400  }
0x21: {  	[tilespmem:s25], [sflag:$0x1] =	stream.indirect.gather [hbm4b:s3+s8], $0x80, s23, s8, $0xb8;
	[tilespmem:$0x1A400] =	vst v63  }
0x22: {  	s21 =	simm.s32 $0xC8;
	s22 =	simm.s32 $0xC800  }
0x23: {  	[tilespmem:s22], [sflag:$0x1] =	stream.indirect.gather [hbm4b:s3+s8], $0x80, s21, s8, $0xb8;
	[tilespmem:$0x1A400] =	vst v63  }
0x24: {  	s23 =	simm.s32 $0xF0;
	s25 =	simm.s32 $0xDC00  }
0x25: {  	[tilespmem:s25], [sflag:$0x1] =	stream.indirect.gather [hbm4b:s3+s8], $0x80, s23, s8, $0xb8;
	[tilespmem:$0x1A400] =	vst v63  }
0x26: {  	s21 =	simm.s32 $0x118;
	s22 =	simm.s32 $0xF000  }
0x27: {  	[tilespmem:s22], [sflag:$0x1] =	stream.indirect.gather [hbm4b:s3+s8], $0x80, s21, s8, $0xb8;
	[tilespmem:$0x1A400] =	vst v63  }
0x28: {  	s23 =	simm.s32 $0x140  }
0x29: {  	[tilespmem:s24], [sflag:$0x1] =	stream.indirect.gather [hbm4b:s3+s8], $0x80, s23, s8, $0xb8;
	[tilespmem:$0x1A400] =	vst v63  }
0x2a: {  	s25 =	simm.s32 $0x168  }
0x2b: {  	[tilespmem:s26], [sflag:$0x1] =	stream.indirect.gather [hbm4b:s3+s8], $0x80, s25, s8, $0xb8;
	[tilespmem:$0x1A400] =	vst v63  }
0x2c: {  	_ = 	snop  }
0x2d: {  	[tilespmem:s29], [sflag:$0x1] =	stream.indirect.gather [hbm4b:s3+s8], $0x80, s28, s8, $0xb8;
	[tilespmem:$0x1A400] =	vst v63  }
0x2e: {  	_ = 	snop  }
0x2f: {  	[tilespmem:s31], [sflag:$0x1] =	stream.indirect.gather [hbm4b:s3+s8], $0x80, s30, s8, $0xb8;
	[tilespmem:$0x1A400] =	vst v63  }
0x30: {  	_ = 	snop  }
0x31: {  	[tilespmem:s1], [sflag:$0x1] =	stream.indirect.gather [hbm4b:s3+s8], $0x80, s0, s8, $0xb8;
	[tilespmem:$0x1A400] =	vst v63  }
0x32: {  	_ = 	snop  }
0x33: {  	[tilespmem:s11], [sflag:$0x1] =	stream.indirect.gather [hbm4b:s3+s8], $0x80, s10, s8, $0xb8;
	[tilespmem:$0x1A400] =	vst v63  }
0x34: {  	_ = 	snop  }
0x35: {  	[tilespmem:s13], [sflag:$0x1] =	stream.indirect.gather [hbm4b:s3+s8], $0x80, s12, s8, $0xb8;
	[tilespmem:$0x1A400] =	vst v63  }
0x36: {  	s6 =	smov.u32 s20;
	s19 =	simm.s32 $0x0  }
0x37: {  	[tilespmem:s15], [sflag:$0x1] =	stream.indirect.gather [hbm4b:s3+s8], $0x80, s14, s8, $0xb8;
	[tilespmem:$0x1A400] =	vst v63  }
.LBB2_2:
0x38: {  	_ =	swait.ge [sflag:s16], $0x1400  }
0x39: {  	[sflag:s16] =	ssyncset.done $0x0  }
0x3a: {  	[sflag:s16] =	ssyncadd.s32 $0xFFFFEC00  }
0x3b: {  	_ =	swait.ge [sflag:s16], $0x1400  }
0x3c: {  	[sflag:s16] =	ssyncset.done $0x0  }
0x3d: {  	[sflag:s16] =	ssyncadd.s32 $0xFFFFEC00  }
0x3e: {  	_ =	swait.ge [sflag:s16], $0x1400  }
0x3f: {  	[sflag:s16] =	ssyncset.done $0x0  }
0x40: {  	[sflag:s16] =	ssyncadd.s32 $0xFFFFEC00  }
0x41: {  	_ =	swait.ge [sflag:s16], $0x1400  }
0x42: {  	[sflag:s16] =	ssyncset.done $0x0  }
0x43: {  	[sflag:s16] =	ssyncadd.s32 $0xFFFFEC00  }
0x44: {  	_ =	swait.ge [sflag:s16], $0x1400  }
0x45: {  	[sflag:s16] =	ssyncset.done $0x0  }
0x46: {  	[sflag:s16] =	ssyncadd.s32 $0xFFFFEC00  }
0x47: {  	_ =	swait.ge [sflag:s16], $0x1400  }
0x48: {  	[sflag:s16] =	ssyncset.done $0x0  }
0x49: {  	[sflag:s16] =	ssyncadd.s32 $0xFFFFEC00  }
0x4a: {  	_ =	swait.ge [sflag:s16], $0x1400  }
0x4b: {  	[sflag:s16] =	ssyncset.done $0x0  }
0x4c: {  	[sflag:s16] =	ssyncadd.s32 $0xFFFFEC00  }
0x4d: {  	_ =	swait.ge [sflag:s16], $0x1400  }
0x4e: {  	[sflag:s16] =	ssyncset.done $0x0  }
0x4f: {  	s21 =	sadd.s32 $0xFFFFEC00, s6;
	[sflag:s16] =	ssyncadd.s32 $0xFFFFEC00  }
0x50: {  	[hbm4b:s21+s2] =	stream.linear.scatter [tilespmem:s9], [sflag:$0x2], $0xA000, $0x38;
	[tilespmem:$0x1A400] =	vst v63  }
0x51: {  	p0 =	seq.s32 s19, $0x18600;
	_ =	swait.ge [sflag:s17], $0xA000  }
0x52: {  	s23 =	simm.s32 @!p0 $0x28;
	s21 =	sshra.s32 @!p0 s19, $0x2;
	[sflag:s17] =	ssyncset.done $0x0  }
0x53: {  	s25 =	simm.s32 @!p0 $0x6400;
	s22 =	sadd.s32 @!p0 $0x280, s21;
	[sflag:s17] =	ssyncadd.s32 $0xFFFF6000  }
0x54: {  	[tilespmem:s25], [sflag:$0x1] =	stream.indirect.gather @!p0 [hbm4b:s3+s23], $0x80, s22, s23, $0xb8;
	[tilespmem:$0x1A400] =	vst v63  }
0x55: {  	s22 =	sadd.s32 @!p0 $0x2A8, s21;
	s25 =	simm.s32 @!p0 $0x7800  }
0x56: {  	[tilespmem:s25], [sflag:$0x1] =	stream.indirect.gather @!p0 [hbm4b:s3+s23], $0x80, s22, s23, $0xb8;
	[tilespmem:$0x1A400] =	vst v63  }
0x57: {  	s22 =	sadd.s32 @!p0 $0x2D0, s21;
	s25 =	simm.s32 @!p0 $0x8C00  }
0x58: {  	[tilespmem:s25], [sflag:$0x1] =	stream.indirect.gather @!p0 [hbm4b:s3+s23], $0x80, s22, s23, $0xb8;
	[tilespmem:$0x1A400] =	vst v63  }
0x59: {  	s22 =	sadd.s32 @!p0 $0x2F8, s21;
	s25 =	simm.s32 @!p0 $0xA000  }
0x5a: {  	[tilespmem:s25], [sflag:$0x1] =	stream.indirect.gather @!p0 [hbm4b:s3+s23], $0x80, s22, s23, $0xb8;
	[tilespmem:$0x1A400] =	vst v63  }
0x5b: {  	s22 =	sadd.s32 @!p0 $0x320, s21;
	s25 =	simm.s32 @!p0 $0xB400  }
0x5c: {  	[tilespmem:s25], [sflag:$0x1] =	stream.indirect.gather @!p0 [hbm4b:s3+s23], $0x80, s22, s23, $0xb8;
	[tilespmem:$0x1A400] =	vst v63  }
0x5d: {  	s22 =	sadd.s32 @!p0 $0x348, s21;
	s25 =	simm.s32 @!p0 $0xC800  }
0x5e: {  	[tilespmem:s25], [sflag:$0x1] =	stream.indirect.gather @!p0 [hbm4b:s3+s23], $0x80, s22, s23, $0xb8;
	[tilespmem:$0x1A400] =	vst v63  }
0x5f: {  	s22 =	sadd.s32 @!p0 $0x370, s21;
	s25 =	simm.s32 @!p0 $0xDC00  }
0x60: {  	[tilespmem:s25], [sflag:$0x1] =	stream.indirect.gather @!p0 [hbm4b:s3+s23], $0x80, s22, s23, $0xb8;
	[tilespmem:$0x1A400] =	vst v63  }
0x61: {  	s21 =	sadd.s32 @!p0 $0x398, s21;
	s22 =	simm.s32 @!p0 $0xF000  }
0x62: {  	[tilespmem:s22], [sflag:$0x1] =	stream.indirect.gather @!p0 [hbm4b:s3+s23], $0x80, s21, s23, $0xb8;
	[tilespmem:$0x1A400] =	vst v63  }
0x63: {  	_ =	swait.ge [sflag:s16], $0x1400  }
0x64: {  	[sflag:s16] =	ssyncset.done $0x0  }
0x65: {  	[sflag:s16] =	ssyncadd.s32 $0xFFFFEC00  }
0x66: {  	_ =	swait.ge [sflag:s16], $0x1400  }
0x67: {  	[sflag:s16] =	ssyncset.done $0x0  }
0x68: {  	[sflag:s16] =	ssyncadd.s32 $0xFFFFEC00  }
0x69: {  	_ =	swait.ge [sflag:s16], $0x1400  }
0x6a: {  	[sflag:s16] =	ssyncset.done $0x0  }
0x6b: {  	[sflag:s16] =	ssyncadd.s32 $0xFFFFEC00  }
0x6c: {  	_ =	swait.ge [sflag:s16], $0x1400  }
0x6d: {  	[sflag:s16] =	ssyncset.done $0x0  }
0x6e: {  	[sflag:s16] =	ssyncadd.s32 $0xFFFFEC00  }
0x6f: {  	_ =	swait.ge [sflag:s16], $0x1400  }
0x70: {  	[sflag:s16] =	ssyncset.done $0x0  }
0x71: {  	[sflag:s16] =	ssyncadd.s32 $0xFFFFEC00  }
0x72: {  	_ =	swait.ge [sflag:s16], $0x1400  }
0x73: {  	[sflag:s16] =	ssyncset.done $0x0  }
0x74: {  	[sflag:s16] =	ssyncadd.s32 $0xFFFFEC00  }
0x75: {  	_ =	swait.ge [sflag:s16], $0x1400  }
0x76: {  	[sflag:s16] =	ssyncset.done $0x0  }
0x77: {  	[sflag:s16] =	ssyncadd.s32 $0xFFFFEC00  }
0x78: {  	_ =	swait.ge [sflag:s16], $0x1400  }
0x79: {  	[sflag:s16] =	ssyncset.done $0x0  }
.Ltmp2:
0x7a: {  	[sflag:s16] =	ssyncadd.s32 $0xFFFFEC00;
	(pc) =	sbr.rel @p0 .LBB2_4-.Ltmp2, $4  }
0x7b: {  	[hbm4b:s6+s2] =	stream.linear.scatter [tilespmem:s24], [sflag:$0x2], $0xA000, $0x38;
	[tilespmem:$0x1A400] =	vst v63  }
0x7c: {  	_ =	swait.ge [sflag:s17], $0xA000  }
0x7d: {  	[sflag:s17] =	ssyncset.done $0x0  }
0x7e: {  	[sflag:s17] =	ssyncadd.s32 $0xFFFF6000  }
0x7f: {  	s21 =	sshra.s32 s19, $0x2  }
0x80: {  	s22 =	sadd.s32 $0x3C0, s21  }
0x81: {  	[tilespmem:s24], [sflag:$0x1] =	stream.indirect.gather [hbm4b:s3+s8], $0x80, s22, s8, $0xb8;
	[tilespmem:$0x1A400] =	vst v63  }
0x82: {  	s23 =	sadd.s32 $0x3E8, s21  }
0x83: {  	[tilespmem:s26], [sflag:$0x1] =	stream.indirect.gather [hbm4b:s3+s8], $0x80, s23, s8, $0xb8;
	[tilespmem:$0x1A400] =	vst v63  }
0x84: {  	s25 =	sadd.s32 $0x410, s21  }
0x85: {  	[tilespmem:s29], [sflag:$0x1] =	stream.indirect.gather [hbm4b:s3+s8], $0x80, s25, s8, $0xb8;
	[tilespmem:$0x1A400] =	vst v63  }
0x86: {  	s23 =	sadd.s32 $0x438, s21  }
0x87: {  	[tilespmem:s31], [sflag:$0x1] =	stream.indirect.gather [hbm4b:s3+s8], $0x80, s23, s8, $0xb8;
	[tilespmem:$0x1A400] =	vst v63  }
0x88: {  	s25 =	sadd.s32 $0x460, s21  }
0x89: {  	[tilespmem:s1], [sflag:$0x1] =	stream.indirect.gather [hbm4b:s3+s8], $0x80, s25, s8, $0xb8;
	[tilespmem:$0x1A400] =	vst v63  }
0x8a: {  	s23 =	sadd.s32 $0x488, s21  }
0x8b: {  	[tilespmem:s11], [sflag:$0x1] =	stream.indirect.gather [hbm4b:s3+s8], $0x80, s23, s8, $0xb8;
	[tilespmem:$0x1A400] =	vst v63  }
.Ltmp3:
0x8c: {  	_ = 	snop;
	(pc) =	sbr.rel .LBB2_2-.Ltmp3, $4  }
0x8d: {  	s25 =	sadd.s32 $0x4B0, s21  }
0x8e: {  	[tilespmem:s13], [sflag:$0x1] =	stream.indirect.gather [hbm4b:s3+s8], $0x80, s25, s8, $0xb8;
	[tilespmem:$0x1A400] =	vst v63  }
0x8f: {  	s6 =	sadd.s32 $0x2800, s6;
	s19 =	sadd.s32 $0xA00, s19;
	s21 =	sadd.s32 $0x4D8, s21  }
0x90: {  	[tilespmem:s15], [sflag:$0x1] =	stream.indirect.gather [hbm4b:s3+s8], $0x80, s21, s8, $0xb8;
	[tilespmem:$0x1A400] =	vst v63  }
.LBB2_5:
0x91: {  	_ =	sfence.sel $0x180000  }
0x92: {  	[bflag:$0x0] =	sbarrier.arrive $0xFFFF  }
0x93: {  	_ =	strace $0x90000047  }
0x94: {  	s0 =	stileid.u32;
	[bflag:$0x2] =	sbarrier.arrive $0xFFFF  }
0x95: {  	p0 =	sne.s32 s0, $0x0;
	s0 =	rddreg [dreg:$0x2]  }
0x96: {  	s0 =	sadd.s32 @!p0 $0x100000, s0  }
0x97: {  	[sflag:s0] =	ssyncadd.tile.s32 @!p0 $0x1;
	_ =	shalt  }
.Lfunc_end2:
_tile_overlayer_lowered:
.L_overlay_start_2:
0x98: {  	(tag) =	ssettag $0x2  }
0x99: {  	s0 =	rddreg [dreg:$0x0];
	s2 =	stileid.u32  }
0x9a: {  	s1 =	rddreg [dreg:$0x1];
	p0 =	sne.s32 s2, $0x0  }
0x9b: {  	s3 =	rddreg [dreg:$0x2];
	[bflag:$0x3] =	sbarrier.arrive $0xFFFF;
	s2 =	simm.s32 @!p0 $0x1C03  }
0x9c: {  	[timem:s3], [sflag:s2] =	dma.local @!p0 [hbm:s0], s1  }
0x9d: {  	s0 =	simm.s32 @!p0 $0x3  }
0x9e: {  	_ =	swait.ge @!p0 [sflag:s0], s1  }
0x9f: {  	s1 =	ssub.s32 @!p0 $0x0, s1;
	[sflag:s0] =	ssyncset.done @!p0 $0x0  }
0xa0: {  	[sflag:s0] =	ssyncadd.s32 @!p0 s1  }
0xa1: {  	[bflag:$0x3] =	sbarrier.arrive $0xFFFF  }
0xa2: {  	_ =	shalt  }

// kernel: sparse-core-data-format-call.cloned.1.call-start
scs
called_computation_lowered:
.L_overlay_start_0:
0x0: {  	s2 =	sld [smem:$0x3FD9]  }
0x1: {  	s3 =	sld [smem:$0x3FFE];
	_ =	sdelay $0x1  }
0x2: {  	s1 =	srdreg.scid  }
0x3: {  	s0 =	sand.u32 $0x1, s1  }
0x4: {  	s18 =	sshll.u32 s0, $0xA;
	s2 =	sadd.s32 s3, s2  }
0x5: {  	s2 =	sadd.s32 s2, s18  }
0x6: {  	[smem:$0x3FC6] =	sst s2  }
0x7: {  	_ = 	snop  }
0x8: {  	s2 =	sld [smem:$0x3FD0];
	(tm) =	ssettm $0x1  }
0x9: {  	s19 =	sld [smem:$0x3FFB];
	_ =	sdelay $0x3  }
0xa: {  	_ =	strace s19  }
0xb: {  	s3 =	sld [smem:$0x3FFC];
	_ =	sdelay $0x3  }
0xc: {  	_ =	strace s3  }
0xd: {  	s3 =	sld [smem:$0x3FFD];
	_ =	sdelay $0x3  }
0xe: {  	_ =	strace s3  }
0xf: {  	_ =	strace $0x8FFFFFFF  }
0x10: {  	s20 =	sld [smem:$0x3FDB];
	_ =	sdelay $0x1  }
0x11: {  	s4 =	simm.s32 $_scs_section_size  }
0x12: {  	s5 =	simm.s32 $_size__tile_overlayer_lowered;
	s6 =	simm.s32 $_tile_overlayer_lowered  }
0x13: {  	s23 =	simm.s32 $0x1BFF;
	s22 =	sshll.u32 s6, $0x1;
	s3 =	sadd.s32 s4, s20  }
0x14: {  	s7 =	simm.s32 $0x0;
	s21 =	sshll.u32 s5, $0x1;
	s5 =	sadd.s32 s22, s3  }
0x15: {  	[timem:s7], [sflag:s23] =	dma.local [hbm:s5], s21  }
0x16: {  	_ =	swait.ge [sflag:s23], s21  }
0x17: {  	s4 =	ssub.s32 $0x0, s21;
	[sflag:s23] =	ssyncset.done $0x0  }
0x18: {  	[sflag:s23] =	ssyncadd.s32 s4;
	_ =	sdelay $0x1  }
0x19: {  	s24 =	simm.s32 $0x1B8B  }
0x1a: {  	_ =	swait.ge [sflag:s24], $0x1  }
0x1b: {  	[sflag:s24] =	ssyncset.done $0x0  }
0x1c: {  	s26 =	simm.s32 $0x1B8E;
	s25 =	sld [smem:$0x3FFE];
	[sflag:s24] =	ssyncadd.s32 $0xFFFFFFFF  }
0x1d: {  	s27 =	simm.s32 $execute0_lowered;
	[smem:$0x3FD2] =	sst s26  }
0x1e: {  	s5 =	sshll.u32 s27, $0x1;
	_ =	strace $0x80000049;
	[dreg:$0x1] =	wrdreg $0xFFFFFFFF  }
0x1f: {  	s28 =	simm.s32 $_size_execute0_lowered;
	s3 =	sadd.s32 s3, s5;
	[dreg:$0x0] =	wrdreg $0x0  }
0x20: {  	s5 =	sshll.u32 s28, $0x1;
	[dreg:$0x2] =	wrdreg s3  }
0x21: {  	[dreg:$0x3] =	wrdreg s5  }
0x22: {  	[dreg:$0x4] =	wrdreg $0xC0  }
0x23: {  	_ =	task [dreg:s7], $0x5FFFF  }
0x24: {  	[dreg:$0x1] =	wrdreg $0xFFFFFFFF  }
0x25: {  	[dreg:$0x0] =	wrdreg $0x60  }
0x26: {  	[dreg:$0x2] =	wrdreg s25  }
0x27: {  	[dreg:$0x3] =	wrdreg s2  }
0x28: {  	[dreg:$0x4] =	wrdreg $0x9  }
0x29: {  	_ =	task.clear_ibuf [dreg:s7], $0x5FFFF;
	_ =	strace $0x90000049  }
0x2a: {  	s29 =	simm.s32 $0x9;
	_ =	strace $0x8000004B  }
0x2b: {  	_ =	swait.ge [sflag:s29], $0x1  }
0x2c: {  	[sflag:s29] =	ssyncadd.s32 $0xFFFFFFFF  }
0x2d: {  	_ =	strace $0x9000004B  }
0x2e: {  	_ =	sfence  }
0x2f: {  	s30 =	sld [smem:$0x0];
	_ =	sdelay $0x2  }
0x30: {  	s31 =	sshll.u32 s1, $0xD;
	s1 =	sshrl.u32 s1, $0x2  }
0x31: {  	s3 =	sand.u32 $0x4000, s31;
	s1 =	sadd.s32 s1, s30  }
0x32: {  	s0 =	sor.u32 s3, s0;
	s1 =	sshll.u32 s1, $0x11  }
0x33: {  	s0 =	sor.u32 s1, s0  }
0x34: {  	s0 =	sadd.s32 $0x8F2B, s0  }
0x35: {  	[sflag:s0] =	ssyncadd.remote.s32 $0x1  }
0x36: {  	_ =	sfence.sel $0xFFFF  }
0x37: {  	[dreg:$0x0] =	wrdreg $0xFFFFFFFF;
	(pc) =	sbr.abs _section_cstart, $3  }
0x38: {  	[dreg:$0x1] =	wrdreg $0xFFFFFFFF  }
0x39: {  	_ =	task.clear_ibuf [dreg:s7], $0x2FFFF;
	_ =	strace $0x9FFFFFFF  }
0x3a: {  	(tm) =	ssettm $0x7FFFFFFF  }
0x3b: {  	_ =	shalt  }
tec
execute0_lowered:
.L_overlay_start_1:
0x0: {  	(tag) =	ssettag $0x1  }
0x1: {  	s0 =	srdreg.scid  }
0x2: {  	s1 =	sshll.u32 s0, $0x4  }
0x3: {  	s0 =	stileid.u32;
	s1 =	sand.u32 $0x10, s1  }
0x4: {  	s1 =	sor.u32 s0, s1  }
0x5: {  	s6 =	rddreg [dreg:$0x0];
	s4 =	simm.s32 $0x1;
	s2 =	sshll.u32 s1, $0x7  }
0x6: {  	s7 =	simm.s32 $0x2;
	s12 =	simm.s32 $0x0;
	s1 =	ssub.s32 $0x1000, s2  }
0x7: {  	s8 =	simm.s32 $0x8000;
	s13 =	simm.s32 $0x0;
	s3 =	sand.u32 $0xF80, s1  }
0x8: {  	s9 =	simm.s32 $0x0;
	s5 =	sshrl.u32 s1, $0xC;
	p0 =	sne.s32 s3, $0x0  }
.Ltmp0:
0x9: {  	s1 =	rddreg [dreg:$0x2];
	s4 =	simm.s32 @!p0 $0x0;
	(pc) =	sbr.rel .LBB1_1-.Ltmp0, $4  }
0xa: {  	s11 =	simm.s32 $0x0;
	s3 =	rddreg [dreg:$0x1];
	s5 =	sadd.s32 s4, s5  }
0xb: {  	_ =	strace $0x8000004A;
	s4 =	simm.s32 $0x1;
	s5 =	smul.u32 $0xC8, s5  }
0xc: {  	s6 =	sadd.s32 $0xA00, s6;
	s10 =	smov.u32 s2;
	[sflag:s4] =	ssyncpa.u1 $0x0  }
0xd: {  	p0 =	por $0x0, $0x0;
	[sflag:s7] =	ssyncpa.u1 $0x0;
	s7 =	sor.u32 $0x1, s5  }
.LBB1_4:
0xe: {  	s16 =	sshll.u32 s13, $0x3;
	s17 =	sand.u32 $0x78, s13  }
0xf: {  	s30 =	sand.u32 $0x7E00, s13;
	s12 =	sshll.u32 s12, $0xF;
	s16 =	sand.u32 $0xC00, s16  }
0x10: {  	[tilespmem:s15+$0x810 ss:$0x81] =	vst.msk $0xffff, v2;
	s31 =	sand.u32 $0x7, s13;
	s16 =	sor.u32 s17, s16;
	s17 =	sadd.s32 s3, s30  }
0x11: {  	[tilespmem:s15+$0x1020 ss:$0x81] =	vst.msk $0xffff, v0;
	s13 =	sshll.u32 s31, $0x12;
	s12 =	sadd.s32 s12, s17;
	s16 =	sshrl.u32 s16, $0x3  }
0x12: {  	[tilespmem:s15+$0x0 ss:$0x81] =	vst.msk $0xffff, v1;
	s13 =	sor.u32 $0x400, s13;
	s12 =	sadd.s32 s16, s12  }
0x13: {  	[hbm4b:s12+s13] =	stream.strided.scatter [tilespmem:s14], [sflag:$0x2], $0x2000, s8, s13, $0x20;
	[tilespmem:$0x8080] =	vst v63  }
.LBB1_5:
0x14: {  	s14 =	sadd.s32 $0x1, s9  }
0x15: {  	s12 =	sadd.s32 $0x1000, s10;
	s16 =	smov.u32 s10;
	p2 =	sgt.s32 s14, $0xC7  }
0x16: {  	s16 =	smov.u32 @p2 s12  }
0x17: {  	s14 =	simm.s32 @p2 $0x0;
	p2 =	sgt.s32 s16, $0xFFF  }
0x18: {  	s16 =	smov.u32 @p2 s2;
	p2 =	sne.s32 s11, s7  }
.Ltmp1:
0x19: {  	p1 =	slt.u32 s11, $0x2;
	(pc) =	sbr.rel @!p2 .LBB1_6-.Ltmp1, $4  }
0x1a: {  	s15 =	simm.s32 @!p1 $0x2  }
0x1b: {  	s13 =	smov.u32 s10;
	p0 =	por !p0, !p0;
	_ =	swait.ge @!p1 [sflag:s15], $0x2000  }
0x1c: {  	s12 =	smov.u32 s9;
	[sflag:s15] =	ssyncset.done @!p1 $0x0;
	s9 =	smov.u32 s14  }
0x1d: {  	s11 =	sadd.s32 $0x1, s11;
	[sflag:s15] =	ssyncadd.s32 @!p1 $0xFFFFE000;
	s10 =	smov.u32 s16  }
.LBB1_1:
0x1e: {  	p1 =	sge.u32 s11, s5  }
0x1f: {  	s14 =	sand.u32 @!p1 $0x1FFFFFF, s9  }
0x20: {  	s15 =	smulhi.u32 @!p1 $0x147AE15, s14;
	_ =	sdelay $0x1  }
0x21: {  	s15 =	smul.u32 @!p1 $0xC8, s15  }
0x22: {  	s16 =	sxor.u32 @!p1 $0xFFFFFFFF, s11;
	s17 =	smul.u32 @!p1 $0xC80, s10  }
0x23: {  	s31 =	sadd.s32 $0xFFFFFFFF, s11;
	s16 =	sshll.u32 @!p1 s16, $0xD;
	s14 =	ssub.s32 @!p1 s14, s15  }
0x24: {  	s15 =	sand.u32 @!p1 $0x2000, s16;
	s16 =	sadd.s32 @!p1 s6, s17;
	s14 =	sshll.u32 @!p1 s14, $0x4  }
0x25: {  	s17 =	simm.s32 @!p1 $0x6400;
	s14 =	sadd.s32 @!p1 s14, s16;
	s16 =	simm.s32 @!p1 $0x40  }
0x26: {  	[tilespmem:s15], [sflag:$0x1] =	stream.strided.gather @!p1 [hbm4b:s14+s16], $0x2000, s17, s16, $0x38;
	[tilespmem:$0x8080] =	vst v63  }
0x27: {  	p1 =	sge.u32 s31, s5  }
.Ltmp2:
0x28: {  	_ = 	snop;
	(pc) =	sbr.rel @p1 .LBB1_5-.Ltmp2, $1  }
0x29: {  	_ =	sdelay $0x3  }
0x2a: {  	s14 =	simm.s32 $0x1  }
0x2b: {  	_ =	swait.ge [sflag:s4], $0x2000;
	s14 =	simm.s32 @!p0 $0x0  }
0x2c: {  	[sflag:s4] =	ssyncset.done $0x0;
	s15 =	sshll.u32 s14, $0xD  }
0x2d: {  	[sflag:s4] =	ssyncadd.s32 $0xFFFFE000;
	s18 =	sor.u32 $0x20, s15  }
0x2e: {  	s14 =	smul.u32 $0x8100, s14;
	v3 =	vld [tilespmem:s18+$0x10]  }
0x2f: {  	s30 =	sand.u32 $0x1, s11;
	v2 =	vld [tilespmem:s18+$0xFFFFFFF0]  }
0x30: {  	s15 =	smul.u32 $0x8100, s30;
	s14 =	sshrl.u32 s14, $0x2;
	v0 =	vld [tilespmem:s18+$0x0]  }
0x31: {  	v1 =	vld [tilespmem:s18+$0xFFFFFFE0];
	s16 =	sor.u32 $0x4000, s14  }
0x32: {  	s31 =	sshrl.u32 s15, $0x2;
	s15 =	sadd.s32 $0x0, s16  }
0x33: {  	s17 =	simm.s32 $0x4;
	s18 =	sadd.s32 $0x40, s18;
	s14 =	sor.u32 $0x4000, s31;
	[tilespmem:s15+$0x1830 ss:$0x81] =	vst.msk $0xffff, v3  }
.LBB1_3:
0x34: {  	v3 =	vld [tilespmem:s18+$0x10];
	p1 =	sne.s32 s17, $0x1FC;
	[tilespmem:s15+$0x810 ss:$0x81] =	vst.msk $0xffff, v2;
	s19 =	smov.u32 s17;
	s17 =	sadd.s32 $0x4, s17  }
.Ltmp3:
0x35: {  	v2 =	vld [tilespmem:s18+$0xFFFFFFF0];
	[tilespmem:s15+$0x1020 ss:$0x81] =	vst.msk $0xffff, v0;
	(pc) =	sbr.rel @p1 .LBB1_3-.Ltmp3, $4  }
0x36: {  	v0 =	vld [tilespmem:s18+$0x0];
	[tilespmem:s15+$0x0 ss:$0x81] =	vst.msk $0xffff, v1  }
0x37: {  	s15 =	sshra.s32 s19, $0x2;
	v1 =	vld [tilespmem:s18+$0xFFFFFFE0]  }
0x38: {  	s15 =	sadd.s32 s15, s16  }
0x39: {  	s18 =	sadd.s32 $0x40, s18;
	[tilespmem:s15+$0x1830 ss:$0x81] =	vst.msk $0xffff, v3  }
.Ltmp4:
0x3a: {  	_ = 	snop;
	(pc) =	sbr.rel .LBB1_4-.Ltmp4, $1  }
0x3b: {  	_ =	sdelay $0x3  }
.LBB1_6:
0x3c: {  	_ =	sfence.sel $0x180000  }
0x3d: {  	s2 =	simm.s32 $0x1;
	[bflag:$0x0] =	sbarrier.arrive $0xFFFF  }
0x3e: {  	s31 =	simm.s32 $0x2;
	[sflag:s2] =	ssyncpa.u1 $0x1  }
0x3f: {  	[sflag:s31] =	ssyncpa.u1 $0x1  }
0x40: {  	p0 =	sne.s32 s0, $0x0;
	_ =	strace $0x9000004A  }
0x41: {  	s0 =	sadd.s32 @!p0 $0x100000, s1;
	[bflag:$0x2] =	sbarrier.arrive $0xFFFF  }
0x42: {  	[sflag:s0] =	ssyncadd.tile.s32 @!p0 $0x1;
	_ =	shalt  }
.Lfunc_end1:
_tile_overlayer_lowered:
.L_overlay_start_2:
0x43: {  	(tag) =	ssettag $0x2  }
0x44: {  	s0 =	rddreg [dreg:$0x0];
	s2 =	stileid.u32  }
0x45: {  	s1 =	rddreg [dreg:$0x1];
	p0 =	sne.s32 s2, $0x0  }
0x46: {  	s3 =	rddreg [dreg:$0x2];
	[bflag:$0x3] =	sbarrier.arrive $0xFFFF;
	s2 =	simm.s32 @!p0 $0x1C01  }
0x47: {  	[timem:s3], [sflag:s2] =	dma.local @!p0 [hbm:s0], s1  }
0x48: {  	s0 =	simm.s32 @!p0 $0x1  }
0x49: {  	_ =	swait.ge @!p0 [sflag:s0], s1  }
0x4a: {  	s1 =	ssub.s32 @!p0 $0x0, s1;
	[sflag:s0] =	ssyncset.done @!p0 $0x0  }
0x4b: {  	[sflag:s0] =	ssyncadd.s32 @!p0 s1  }
0x4c: {  	[bflag:$0x3] =	sbarrier.arrive $0xFFFF  }
0x4d: {  	_ =	shalt  }

</sc_bundles>
